<compile_context>
chip_gen: v7x
topology: tpu7x:2x2x1
jax: 0.10.2.dev20260603
libtpu: 0.0.44.dev20260713+nightly
codegen_flags: <defaults>
</compile_context>

<pallas_src>
import functools

import jax
import jax.numpy as jnp
from jax import lax
from jax.experimental import pallas as pl
from jax.experimental.pallas import tpu as pltpu
from jax.experimental.pallas import tpu_sc as plsc

_N = 16384
_D = 128
_K = 128
_T = 4096
_NT = _N // _T
_IMAX = 0x7FFFFFFF
_INFBITS = 0x7F800000

_NSUB = 16
_LANES = 16
_E = _N // _NSUB
_NV = _E // _LANES


def _tc_body(o_ref, lab_ref, g_ref, key_ref, nll_ref, scal_ref):
    i = pl.program_id(0)
    o = o_ref[...]
    g = g_ref[...]
    lab = lab_ref[...]
    gm2 = g * -2.0
    g_sq = jnp.sum(g * g, axis=1, keepdims=True)
    ot = o.T
    dpart = jax.lax.dot_general(gm2, ot, (((1,), (0,)), ((), ())),
                                preferred_element_type=jnp.float32) + g_sq
    minv = jnp.min(dpart, axis=0, keepdims=True)
    kiota = jax.lax.broadcasted_iota(jnp.int32, dpart.shape, 0)
    amin = jnp.min(jnp.where(dpart == minv, kiota, _IMAX),
                   axis=0, keepdims=True)
    oo = o * o
    eo = jnp.exp(o)
    ones8 = jnp.ones((8, _D), jnp.float32)
    osq8 = jax.lax.dot_general(ones8, oo, (((1,), (1,)), ((), ())),
                               preferred_element_type=jnp.float32)
    esum8 = jax.lax.dot_general(ones8, eo, (((1,), (1,)), ((), ())),
                                preferred_element_type=jnp.float32)
    o_sq = osq8[0:1, :]
    lse = jnp.log(esum8[0:1, :])
    key_f = jnp.maximum(minv + o_sq, 0.0)
    is_u = lab > (_K - 1)
    lab_eff = jnp.where(is_u, amin, lab)
    o_at = jnp.sum(jnp.where(kiota == lab_eff, ot, 0.0),
                   axis=0, keepdims=True)
    nll = lse - o_at
    key_i = jnp.where(is_u, jax.lax.bitcast_convert_type(key_f, jnp.int32),
                      _IMAX)
    key_ref[:, pl.ds(i * _T, _T)] = key_i
    nll_ref[:, pl.ds(i * _T, _T)] = nll

    @pl.when(i == _NT - 1)
    def _finalize():
        keys = key_ref[...]
        num_u = jnp.sum((keys != _IMAX).astype(jnp.int32))
        num_p = jnp.int32(_N) - num_u
        num_sel = num_u // 10

        def bs_val(_, lohi):
            lo, hi = lohi
            mid = lo + (hi - lo) // 2
            cnt = jnp.sum((keys <= mid).astype(jnp.int32))
            ge = cnt >= num_sel
            return (jnp.where(ge, lo, mid + 1), jnp.where(ge, mid, hi))

        t, _hi = jax.lax.fori_loop(0, 31, bs_val,
                                   (jnp.int32(0), jnp.int32(_INFBITS + 1)))
        cnt_less = jnp.sum((keys < t).astype(jnp.int32))
        rem = num_sel - cnt_less

        cidx = jax.lax.broadcasted_iota(jnp.int32, keys.shape, 1)
        eq = keys == t

        def bs_idx(_, lohi):
            lo, hi = lohi
            mid = lo + (hi - lo) // 2
            cnt = jnp.sum((eq & (cidx < mid)).astype(jnp.int32))
            ge = cnt >= rem
            return (jnp.where(ge, lo, mid + 1), jnp.where(ge, mid, hi))

        j, _hi2 = jax.lax.fori_loop(0, 15, bs_idx,
                                    (jnp.int32(0), jnp.int32(_N)))
        inv_total = jax.lax.bitcast_convert_type(
            1.0 / (num_p + num_sel).astype(jnp.float32), jnp.int32)
        for l in range(16):
            scal_ref[0, l] = t
            scal_ref[0, 16 + l] = j
            scal_ref[0, 32 + l] = inv_total


def _tc_pass(outputs, labels, global_logit):
    return pl.pallas_call(
        _tc_body,
        grid=(_NT,),
        in_specs=[
            pl.BlockSpec((_T, _D), lambda i: (i, 0)),
            pl.BlockSpec((1, _T), lambda i: (0, i)),
            pl.BlockSpec((_K, _D), lambda i: (0, 0)),
        ],
        out_specs=[
            pl.BlockSpec((1, _N), lambda i: (0, 0)),
            pl.BlockSpec((1, _N), lambda i: (0, 0)),
            pl.BlockSpec((1, 48), lambda i: (0, 0), memory_space=pltpu.SMEM),
        ],
        out_shape=[
            jax.ShapeDtypeStruct((1, _N), jnp.int32),
            jax.ShapeDtypeStruct((1, _N), jnp.float32),
            jax.ShapeDtypeStruct((1, 48), jnp.int32),
        ],
    )(outputs, labels, global_logit)


@functools.cache
def _sc_select_kernel():
    mesh = plsc.VectorSubcoreMesh(core_axis_name="c", subcore_axis_name="s")
    return functools.partial(
        pl.kernel,
        mesh=mesh,
        compiler_params=pltpu.CompilerParams(needs_layout_passes=False),
        out_type=jax.ShapeDtypeStruct((_LANES,), jnp.float32),
        scratch_types=[
            pltpu.VMEM((_E,), jnp.int32),
            pltpu.VMEM((_E,), jnp.float32),
            pltpu.VMEM((48,), jnp.int32),
            pltpu.VMEM((_LANES,), jnp.float32),
            pltpu.VMEM((_NSUB * _LANES,), jnp.float32),
            pltpu.VMEM_SHARED((_NSUB * _LANES,), jnp.float32),
        ],
    )(_sc_body)


def _sc_body(key_hbm, nll_hbm, scal_hbm, out_hbm,
             kv_ref, nv_ref, sv_ref, stage_ref, tmp_ref, shared_ref):
    sub = lax.axis_index("s")
    core = lax.axis_index("c")
    base = sub * _E
    pltpu.sync_copy(key_hbm.at[pl.ds(base, _E)], kv_ref)
    pltpu.sync_copy(nll_hbm.at[pl.ds(base, _E)], nv_ref)
    pltpu.sync_copy(scal_hbm, sv_ref)
    lane = lax.iota(jnp.int32, _LANES)
    t_v = sv_ref[pl.ds(0, _LANES)]
    j_v = sv_ref[pl.ds(_LANES, _LANES)]
    invtot_v = jax.lax.bitcast_convert_type(
        sv_ref[pl.ds(2 * _LANES, _LANES)], jnp.float32)
    imax_v = jnp.full((_LANES,), _IMAX, jnp.int32)
    acc = jnp.zeros((_LANES,), jnp.float32)
    for q in range(_NV):
        kq = kv_ref[pl.ds(q * _LANES, _LANES)]
        nq = nv_ref[pl.ds(q * _LANES, _LANES)]
        idx = lane + (base + q * _LANES)
        keep = (kq == imax_v) | (kq < t_v) | ((kq == t_v) & (idx < j_v))
        acc = acc + jnp.where(keep, nq, 0.0)
    stage_ref[...] = acc
    pltpu.sync_copy(stage_ref, shared_ref.at[pl.ds(sub * _LANES, _LANES)])
    plsc.subcore_barrier()

    @pl.when((sub == 0) & (core == 0))
    def _combine():
        pltpu.sync_copy(shared_ref, tmp_ref)
        s = jnp.zeros((_LANES,), jnp.float32)
        for r in range(_NSUB):
            s = s + tmp_ref[pl.ds(r * _LANES, _LANES)]
        ssum = jnp.sum(s)
        loss_v = (jnp.zeros((_LANES,), jnp.float32) + ssum) * invtot_v
        stage_ref[...] = loss_v
        pltpu.sync_copy(stage_ref, out_hbm)


def kernel(outputs, labels, global_logit):
    outputs = outputs.astype(jnp.float32)
    labels = labels.astype(jnp.int32).reshape(1, _N)
    keys, nlls, scal = _tc_pass(outputs, labels, global_logit)
    loss_v = _sc_select_kernel()(keys.reshape(_N), nlls.reshape(_N),
                                 scal.reshape(48))
    return loss_v[0]

# --- scband reference (transcript-rebuilt; emitter-appended) ---
"""Pipeline reference for scband-ploss-my2-83133386981799 (READ-ONLY COPY).

The authoritative reference and input builder live on the scoring server;
editing this copy changes nothing except your own understanding.
"""

import jax, jax.numpy as jnp
import numpy as np

K = 128

def setup_inputs(seed: int = 0) -> dict:
    key = jax.random.key(seed)
    k1, k2, k3 = jax.random.split(key, 3)
    outputs = jax.random.normal(k1, (16384, 128), dtype=jnp.float32)
    labels = jax.random.randint(k2, (16384,), 0, 256, dtype=jnp.int64)
    global_logit = jax.random.normal(k3, (128, 128), dtype=jnp.float32)
    return {"outputs": outputs, "labels": labels, "global_logit": global_logit}

def calculate_distances(logits, outputs):
    distances = []
    for i in range(logits.shape[0]):
        logit = logits[i]
        distance = jnp.linalg.norm(logit - outputs, axis=1)
        distances.append(distance)
    return jnp.stack(distances, axis=1)

def reference(outputs, labels, global_logit):
    outputs = outputs.astype(jnp.float32)
    numClass = K
    U_mask = labels > numClass - 1
    P_mask = jnp.logical_not(U_mask)
    # distances from each class prototype to each sample: [N, K]
    distances = calculate_distances(global_logit, outputs)
    min_distances = jnp.min(distances, axis=1)
    min_indices = jnp.argmin(distances, axis=1)
    num_U = jnp.sum(U_mask.astype(jnp.int32))
    num_selected = num_U // 10
    # smallest num_selected min-distances among U samples, via rank mask
    masked_distances = jnp.where(U_mask, min_distances, jnp.inf)
    rank = jnp.argsort(jnp.argsort(masked_distances))
    selected = jnp.logical_and(U_mask, rank < num_selected)
    include = jnp.logical_or(P_mask, selected)
    labels_eff = jnp.where(U_mask, min_indices.astype(labels.dtype), labels)
    # CrossEntropyLoss (mean reduction) over P and selected U samples
    logp = jax.nn.log_softmax(outputs, axis=1)
    nll = -jnp.take_along_axis(logp, labels_eff[:, None], axis=1)[:, 0]
    num_P = jnp.sum(P_mask.astype(jnp.int32))
    total = (num_P + num_selected).astype(jnp.float32)
    crossloss = jnp.sum(jnp.where(include, nll, jnp.float32(0.0))) / total
    return crossloss

if __name__ == "__main__":
    import jax
    _d = setup_inputs()
    print(jax.jit(kernel)(*tuple(_d.values())))

</pallas_src>

<mosaic_0001>
#map = affine_map<(d0, d1) -> (0)>
module attributes {stable_mosaic.version = 14 : i64} {
  func.func @_sc_body(%arg0: i32, %arg1: i32, %arg2: memref<16384xi32, #tpu.memory_space<hbm>>, %arg3: memref<16384xf32, #tpu.memory_space<hbm>>, %arg4: memref<48xi32, #tpu.memory_space<hbm>>, %arg5: memref<16xf32, #tpu.memory_space<hbm>>, %arg6: memref<1024xi32, #tpu.memory_space<vmem>>, %arg7: memref<1024xf32, #tpu.memory_space<vmem>>, %arg8: memref<48xi32, #tpu.memory_space<vmem>>, %arg9: memref<16xf32, #tpu.memory_space<vmem>>, %arg10: memref<256xf32, #tpu.memory_space<vmem>>, %arg11: memref<256xf32, #tpu.memory_space<vmem_shared>>) attributes {dimension_semantics = [#tpu.dimension_semantics<core_parallel>, #tpu.dimension_semantics<subcore_parallel>], iteration_bounds = array<i64: 2, 16>, scalar_prefetch = 0 : i64, scratch_operands = 6 : i64, tpu.core_type = #tpu.core_type<sc_vector_subcore>, window_params = [{transform_indices = #map}, {transform_indices = #map}, {transform_indices = #map}, {transform_indices = #map}]} {
    %mul3A = arith.constant 1024 : i32
    %mul3A_0 = arith.muli %arg1, %mul3A : i32
    "tpu.region"() ({
      %run_scoped3A = tpu.sem_alloc : memref<!tpu.dma_semaphore, #tpu.memory_space<semaphore_mem>>
      %dma_start3A = tpu.memref_slice %arg2[%mul3A_0] : memref<16384xi32, #tpu.memory_space<hbm>> -> memref<1024xi32, #tpu.memory_space<hbm>>
      %dma_start3A_1227 = tpu.memref_slice %arg2[%mul3A_0] : memref<16384xi32, #tpu.memory_space<hbm>> -> memref<1024xi32, #tpu.memory_space<hbm>>
      tpu.enqueue_dma source(%dma_start3A_1227 : memref<1024xi32, #tpu.memory_space<hbm>>) target(%arg6 : memref<1024xi32, #tpu.memory_space<vmem>>) target_semaphore(%run_scoped3A : memref<!tpu.dma_semaphore, #tpu.memory_space<semaphore_mem>>)
      %dma_wait3A = tpu.memref_slice %arg2[%mul3A_0] : memref<16384xi32, #tpu.memory_space<hbm>> -> memref<1024xi32, #tpu.memory_space<hbm>>
      %dma_wait3A_1228 = tpu.memref_slice %arg2[%mul3A_0] : memref<16384xi32, #tpu.memory_space<hbm>> -> memref<1024xi32, #tpu.memory_space<hbm>>
      tpu.wait_dma2 semaphore(%run_scoped3A : memref<!tpu.dma_semaphore, #tpu.memory_space<semaphore_mem>>) src(%dma_wait3A_1228 : memref<1024xi32, #tpu.memory_space<hbm>>) dst(%arg6 : memref<1024xi32, #tpu.memory_space<vmem>>)
      tpu.yield
    }) : () -> ()
    "tpu.region"() ({
      %run_scoped3A = tpu.sem_alloc : memref<!tpu.dma_semaphore, #tpu.memory_space<semaphore_mem>>
      %dma_start3A = tpu.memref_slice %arg3[%mul3A_0] : memref<16384xf32, #tpu.memory_space<hbm>> -> memref<1024xf32, #tpu.memory_space<hbm>>
      %dma_start3A_1227 = tpu.memref_slice %arg3[%mul3A_0] : memref<16384xf32, #tpu.memory_space<hbm>> -> memref<1024xf32, #tpu.memory_space<hbm>>
      tpu.enqueue_dma source(%dma_start3A_1227 : memref<1024xf32, #tpu.memory_space<hbm>>) target(%arg7 : memref<1024xf32, #tpu.memory_space<vmem>>) target_semaphore(%run_scoped3A : memref<!tpu.dma_semaphore, #tpu.memory_space<semaphore_mem>>)
      %dma_wait3A = tpu.memref_slice %arg3[%mul3A_0] : memref<16384xf32, #tpu.memory_space<hbm>> -> memref<1024xf32, #tpu.memory_space<hbm>>
      %dma_wait3A_1228 = tpu.memref_slice %arg3[%mul3A_0] : memref<16384xf32, #tpu.memory_space<hbm>> -> memref<1024xf32, #tpu.memory_space<hbm>>
      tpu.wait_dma2 semaphore(%run_scoped3A : memref<!tpu.dma_semaphore, #tpu.memory_space<semaphore_mem>>) src(%dma_wait3A_1228 : memref<1024xf32, #tpu.memory_space<hbm>>) dst(%arg7 : memref<1024xf32, #tpu.memory_space<vmem>>)
      tpu.yield
    }) : () -> ()
    "tpu.region"() ({
      %run_scoped3A = tpu.sem_alloc : memref<!tpu.dma_semaphore, #tpu.memory_space<semaphore_mem>>
      tpu.enqueue_dma source(%arg4 : memref<48xi32, #tpu.memory_space<hbm>>) target(%arg8 : memref<48xi32, #tpu.memory_space<vmem>>) target_semaphore(%run_scoped3A : memref<!tpu.dma_semaphore, #tpu.memory_space<semaphore_mem>>)
      tpu.wait_dma2 semaphore(%run_scoped3A : memref<!tpu.dma_semaphore, #tpu.memory_space<semaphore_mem>>) src(%arg4 : memref<48xi32, #tpu.memory_space<hbm>>) dst(%arg8 : memref<48xi32, #tpu.memory_space<vmem>>)
      tpu.yield
    }) : () -> ()
    %iota3A = tpu.iota {dimensions = array<i32: 0>} : vector<16xi32>
    %get3A = arith.constant 0 : index
    %get3A_1 = tpu.vector_load %arg8[%get3A] {strides = array<i32>} : memref<48xi32, #tpu.memory_space<vmem>>, vector<16xi32>,
    %get3A_2 = arith.constant 16 : index
    %get3A_3 = tpu.vector_load %arg8[%get3A_2] {strides = array<i32>} : memref<48xi32, #tpu.memory_space<vmem>>, vector<16xi32>,
    %get3A_4 = arith.constant 32 : index
    %get3A_5 = tpu.vector_load %arg8[%get3A_4] {strides = array<i32>} : memref<48xi32, #tpu.memory_space<vmem>>, vector<16xi32>,
    %bitcast_convert_type3A = tpu.bitcast %get3A_5 : vector<16xi32> -> vector<16xf32>
    %broadcast_in_dim3A = arith.constant 2147483647 : i32
    %broadcast_in_dim3A_6 = vector.broadcast %broadcast_in_dim3A : i32 to vector<16xi32>
    %broadcast_in_dim3A_7 = arith.constant 0.000000e+00 : f32
    %broadcast_in_dim3A_8 = vector.broadcast %broadcast_in_dim3A_7 : f32 to vector<16xf32>
    %get3A_9 = arith.constant 0 : index
    %get3A_10 = tpu.vector_load %arg6[%get3A_9] {strides = array<i32>} : memref<1024xi32, #tpu.memory_space<vmem>>, vector<16xi32>,
    %get3A_11 = arith.constant 0 : index
    %get3A_12 = tpu.vector_load %arg7[%get3A_11] {strides = array<i32>} : memref<1024xf32, #tpu.memory_space<vmem>>, vector<16xf32>,
    %add3A = arith.constant 0 : i32
    %add3A_13 = arith.addi %mul3A_0, %add3A : i32
    %add3A_14 = vector.broadcast %add3A_13 : i32 to vector<16xi32>
    %add3A_15 = arith.addi %iota3A, %add3A_14 : vector<16xi32>
    %eq3A = arith.cmpi eq, %get3A_10, %broadcast_in_dim3A_6 : vector<16xi32>
    %lt3A = arith.cmpi slt, %get3A_10, %get3A_1 : vector<16xi32>
    %or3A = arith.ori %eq3A, %lt3A : vector<16xi1>
    %eq3A_16 = arith.cmpi eq, %get3A_10, %get3A_1 : vector<16xi32>
    %lt3A_17 = arith.cmpi slt, %add3A_15, %get3A_3 : vector<16xi32>
    %and3A = arith.andi %eq3A_16, %lt3A_17 : vector<16xi1>
    %or3A_18 = arith.ori %or3A, %and3A : vector<16xi1>
    %jit3A = arith.constant 0.000000e+00 : f32
    %broadcast_in_dim3A_19 = vector.broadcast %jit3A : f32 to vector<16xf32>
    %select_n3A = arith.select %or3A_18, %get3A_12, %broadcast_in_dim3A_19 : vector<16xi1>, vector<16xf32>
    %add3A_20 = arith.addf %broadcast_in_dim3A_8, %select_n3A : vector<16xf32>
    %get3A_21 = arith.constant 16 : index
    %get3A_22 = tpu.vector_load %arg6[%get3A_21] {strides = array<i32>} : memref<1024xi32, #tpu.memory_space<vmem>>, vector<16xi32>,
    %get3A_23 = arith.constant 16 : index
    %get3A_24 = tpu.vector_load %arg7[%get3A_23] {strides = array<i32>} : memref<1024xf32, #tpu.memory_space<vmem>>, vector<16xf32>,
    %add3A_25 = arith.constant 16 : i32
    %add3A_26 = arith.addi %mul3A_0, %add3A_25 : i32
    %add3A_27 = vector.broadcast %add3A_26 : i32 to vector<16xi32>
    %add3A_28 = arith.addi %iota3A, %add3A_27 : vector<16xi32>
    %eq3A_29 = arith.cmpi eq, %get3A_22, %broadcast_in_dim3A_6 : vector<16xi32>
    %lt3A_30 = arith.cmpi slt, %get3A_22, %get3A_1 : vector<16xi32>
    %or3A_31 = arith.ori %eq3A_29, %lt3A_30 : vector<16xi1>
    %eq3A_32 = arith.cmpi eq, %get3A_22, %get3A_1 : vector<16xi32>
    %lt3A_33 = arith.cmpi slt, %add3A_28, %get3A_3 : vector<16xi32>
    %and3A_34 = arith.andi %eq3A_32, %lt3A_33 : vector<16xi1>
    %or3A_35 = arith.ori %or3A_31, %and3A_34 : vector<16xi1>
    %jit3A_36 = arith.constant 0.000000e+00 : f32
    %broadcast_in_dim3A_37 = vector.broadcast %jit3A_36 : f32 to vector<16xf32>
    %select_n3A_38 = arith.select %or3A_35, %get3A_24, %broadcast_in_dim3A_37 : vector<16xi1>, vector<16xf32>
    %add3A_39 = arith.addf %add3A_20, %select_n3A_38 : vector<16xf32>
    %get3A_40 = arith.constant 32 : index
    %get3A_41 = tpu.vector_load %arg6[%get3A_40] {strides = array<i32>} : memref<1024xi32, #tpu.memory_space<vmem>>, vector<16xi32>,
    %get3A_42 = arith.constant 32 : index
    %get3A_43 = tpu.vector_load %arg7[%get3A_42] {strides = array<i32>} : memref<1024xf32, #tpu.memory_space<vmem>>, vector<16xf32>,
    %add3A_44 = arith.constant 32 : i32
    %add3A_45 = arith.addi %mul3A_0, %add3A_44 : i32
    %add3A_46 = vector.broadcast %add3A_45 : i32 to vector<16xi32>
    %add3A_47 = arith.addi %iota3A, %add3A_46 : vector<16xi32>
    %eq3A_48 = arith.cmpi eq, %get3A_41, %broadcast_in_dim3A_6 : vector<16xi32>
    %lt3A_49 = arith.cmpi slt, %get3A_41, %get3A_1 : vector<16xi32>
    %or3A_50 = arith.ori %eq3A_48, %lt3A_49 : vector<16xi1>
    %eq3A_51 = arith.cmpi eq, %get3A_41, %get3A_1 : vector<16xi32>
    %lt3A_52 = arith.cmpi slt, %add3A_47, %get3A_3 : vector<16xi32>
    %and3A_53 = arith.andi %eq3A_51, %lt3A_52 : vector<16xi1>
    %or3A_54 = arith.ori %or3A_50, %and3A_53 : vector<16xi1>
    %jit3A_55 = arith.constant 0.000000e+00 : f32
    %broadcast_in_dim3A_56 = vector.broadcast %jit3A_55 : f32 to vector<16xf32>
    %select_n3A_57 = arith.select %or3A_54, %get3A_43, %broadcast_in_dim3A_56 : vector<16xi1>, vector<16xf32>
    %add3A_58 = arith.addf %add3A_39, %select_n3A_57 : vector<16xf32>
    %get3A_59 = arith.constant 48 : index
    %get3A_60 = tpu.vector_load %arg6[%get3A_59] {strides = array<i32>} : memref<1024xi32, #tpu.memory_space<vmem>>, vector<16xi32>,
    %get3A_61 = arith.constant 48 : index
    %get3A_62 = tpu.vector_load %arg7[%get3A_61] {strides = array<i32>} : memref<1024xf32, #tpu.memory_space<vmem>>, vector<16xf32>,
    %add3A_63 = arith.constant 48 : i32
    %add3A_64 = arith.addi %mul3A_0, %add3A_63 : i32
    %add3A_65 = vector.broadcast %add3A_64 : i32 to vector<16xi32>
    %add3A_66 = arith.addi %iota3A, %add3A_65 : vector<16xi32>
    %eq3A_67 = arith.cmpi eq, %get3A_60, %broadcast_in_dim3A_6 : vector<16xi32>
    %lt3A_68 = arith.cmpi slt, %get3A_60, %get3A_1 : vector<16xi32>
    %or3A_69 = arith.ori %eq3A_67, %lt3A_68 : vector<16xi1>
    %eq3A_70 = arith.cmpi eq, %get3A_60, %get3A_1 : vector<16xi32>
    %lt3A_71 = arith.cmpi slt, %add3A_66, %get3A_3 : vector<16xi32>
    %and3A_72 = arith.andi %eq3A_70, %lt3A_71 : vector<16xi1>
    %or3A_73 = arith.ori %or3A_69, %and3A_72 : vector<16xi1>
    %jit3A_74 = arith.constant 0.000000e+00 : f32
    %broadcast_in_dim3A_75 = vector.broadcast %jit3A_74 : f32 to vector<16xf32>
    %select_n3A_76 = arith.select %or3A_73, %get3A_62, %broadcast_in_dim3A_75 : vector<16xi1>, vector<16xf32>
    %add3A_77 = arith.addf %add3A_58, %select_n3A_76 : vector<16xf32>
    %get3A_78 = arith.constant 64 : index
    %get3A_79 = tpu.vector_load %arg6[%get3A_78] {strides = array<i32>} : memref<1024xi32, #tpu.memory_space<vmem>>, vector<16xi32>,
    %get3A_80 = arith.constant 64 : index
    %get3A_81 = tpu.vector_load %arg7[%get3A_80] {strides = array<i32>} : memref<1024xf32, #tpu.memory_space<vmem>>, vector<16xf32>,
    %add3A_82 = arith.constant 64 : i32
    %add3A_83 = arith.addi %mul3A_0, %add3A_82 : i32
    %add3A_84 = vector.broadcast %add3A_83 : i32 to vector<16xi32>
    %add3A_85 = arith.addi %iota3A, %add3A_84 : vector<16xi32>
    %eq3A_86 = arith.cmpi eq, %get3A_79, %broadcast_in_dim3A_6 : vector<16xi32>
    %lt3A_87 = arith.cmpi slt, %get3A_79, %get3A_1 : vector<16xi32>
    %or3A_88 = arith.ori %eq3A_86, %lt3A_87 : vector<16xi1>
    %eq3A_89 = arith.cmpi eq, %get3A_79, %get3A_1 : vector<16xi32>
    %lt3A_90 = arith.cmpi slt, %add3A_85, %get3A_3 : vector<16xi32>
    %and3A_91 = arith.andi %eq3A_89, %lt3A_90 : vector<16xi1>
    %or3A_92 = arith.ori %or3A_88, %and3A_91 : vector<16xi1>
    %jit3A_93 = arith.constant 0.000000e+00 : f32
    %broadcast_in_dim3A_94 = vector.broadcast %jit3A_93 : f32 to vector<16xf32>
    %select_n3A_95 = arith.select %or3A_92, %get3A_81, %broadcast_in_dim3A_94 : vector<16xi1>, vector<16xf32>
    %add3A_96 = arith.addf %add3A_77, %select_n3A_95 : vector<16xf32>
    %get3A_97 = arith.constant 80 : index
    %get3A_98 = tpu.vector_load %arg6[%get3A_97] {strides = array<i32>} : memref<1024xi32, #tpu.memory_space<vmem>>, vector<16xi32>,
    %get3A_99 = arith.constant 80 : index
    %get3A_100 = tpu.vector_load %arg7[%get3A_99] {strides = array<i32>} : memref<1024xf32, #tpu.memory_space<vmem>>, vector<16xf32>,
    %add3A_101 = arith.constant 80 : i32
    %add3A_102 = arith.addi %mul3A_0, %add3A_101 : i32
    %add3A_103 = vector.broadcast %add3A_102 : i32 to vector<16xi32>
    %add3A_104 = arith.addi %iota3A, %add3A_103 : vector<16xi32>
    %eq3A_105 = arith.cmpi eq, %get3A_98, %broadcast_in_dim3A_6 : vector<16xi32>
    %lt3A_106 = arith.cmpi slt, %get3A_98, %get3A_1 : vector<16xi32>
    %or3A_107 = arith.ori %eq3A_105, %lt3A_106 : vector<16xi1>
    %eq3A_108 = arith.cmpi eq, %get3A_98, %get3A_1 : vector<16xi32>
    %lt3A_109 = arith.cmpi slt, %add3A_104, %get3A_3 : vector<16xi32>
    %and3A_110 = arith.andi %eq3A_108, %lt3A_109 : vector<16xi1>
    %or3A_111 = arith.ori %or3A_107, %and3A_110 : vector<16xi1>
    %jit3A_112 = arith.constant 0.000000e+00 : f32
    %broadcast_in_dim3A_113 = vector.broadcast %jit3A_112 : f32 to vector<16xf32>
    %select_n3A_114 = arith.select %or3A_111, %get3A_100, %broadcast_in_dim3A_113 : vector<16xi1>, vector<16xf32>
    %add3A_115 = arith.addf %add3A_96, %select_n3A_114 : vector<16xf32>
    %get3A_116 = arith.constant 96 : index
    %get3A_117 = tpu.vector_load %arg6[%get3A_116] {strides = array<i32>} : memref<1024xi32, #tpu.memory_space<vmem>>, vector<16xi32>,
    %get3A_118 = arith.constant 96 : index
    %get3A_119 = tpu.vector_load %arg7[%get3A_118] {strides = array<i32>} : memref<1024xf32, #tpu.memory_space<vmem>>, vector<16xf32>,
    %add3A_120 = arith.constant 96 : i32
    %add3A_121 = arith.addi %mul3A_0, %add3A_120 : i32
    %add3A_122 = vector.broadcast %add3A_121 : i32 to vector<16xi32>
    %add3A_123 = arith.addi %iota3A, %add3A_122 : vector<16xi32>
    %eq3A_124 = arith.cmpi eq, %get3A_117, %broadcast_in_dim3A_6 : vector<16xi32>
    %lt3A_125 = arith.cmpi slt, %get3A_117, %get3A_1 : vector<16xi32>
    %or3A_126 = arith.ori %eq3A_124, %lt3A_125 : vector<16xi1>
    %eq3A_127 = arith.cmpi eq, %get3A_117, %get3A_1 : vector<16xi32>
    %lt3A_128 = arith.cmpi slt, %add3A_123, %get3A_3 : vector<16xi32>
    %and3A_129 = arith.andi %eq3A_127, %lt3A_128 : vector<16xi1>
    %or3A_130 = arith.ori %or3A_126, %and3A_129 : vector<16xi1>
    %jit3A_131 = arith.constant 0.000000e+00 : f32
    %broadcast_in_dim3A_132 = vector.broadcast %jit3A_131 : f32 to vector<16xf32>
    %select_n3A_133 = arith.select %or3A_130, %get3A_119, %broadcast_in_dim3A_132 : vector<16xi1>, vector<16xf32>
    %add3A_134 = arith.addf %add3A_115, %select_n3A_133 : vector<16xf32>
    %get3A_135 = arith.constant 112 : index
    %get3A_136 = tpu.vector_load %arg6[%get3A_135] {strides = array<i32>} : memref<1024xi32, #tpu.memory_space<vmem>>, vector<16xi32>,
    %get3A_137 = arith.constant 112 : index
    %get3A_138 = tpu.vector_load %arg7[%get3A_137] {strides = array<i32>} : memref<1024xf32, #tpu.memory_space<vmem>>, vector<16xf32>,
    %add3A_139 = arith.constant 112 : i32
    %add3A_140 = arith.addi %mul3A_0, %add3A_139 : i32
    %add3A_141 = vector.broadcast %add3A_140 : i32 to vector<16xi32>
    %add3A_142 = arith.addi %iota3A, %add3A_141 : vector<16xi32>
    %eq3A_143 = arith.cmpi eq, %get3A_136, %broadcast_in_dim3A_6 : vector<16xi32>
    %lt3A_144 = arith.cmpi slt, %get3A_136, %get3A_1 : vector<16xi32>
    %or3A_145 = arith.ori %eq3A_143, %lt3A_144 : vector<16xi1>
    %eq3A_146 = arith.cmpi eq, %get3A_136, %get3A_1 : vector<16xi32>
    %lt3A_147 = arith.cmpi slt, %add3A_142, %get3A_3 : vector<16xi32>
    %and3A_148 = arith.andi %eq3A_146, %lt3A_147 : vector<16xi1>
    %or3A_149 = arith.ori %or3A_145, %and3A_148 : vector<16xi1>
    %jit3A_150 = arith.constant 0.000000e+00 : f32
    %broadcast_in_dim3A_151 = vector.broadcast %jit3A_150 : f32 to vector<16xf32>
    %select_n3A_152 = arith.select %or3A_149, %get3A_138, %broadcast_in_dim3A_151 : vector<16xi1>, vector<16xf32>
    %add3A_153 = arith.addf %add3A_134, %select_n3A_152 : vector<16xf32>
    %get3A_154 = arith.constant 128 : index
    %get3A_155 = tpu.vector_load %arg6[%get3A_154] {strides = array<i32>} : memref<1024xi32, #tpu.memory_space<vmem>>, vector<16xi32>,
    %get3A_156 = arith.constant 128 : index
    %get3A_157 = tpu.vector_load %arg7[%get3A_156] {strides = array<i32>} : memref<1024xf32, #tpu.memory_space<vmem>>, vector<16xf32>,
    %add3A_158 = arith.constant 128 : i32
    %add3A_159 = arith.addi %mul3A_0, %add3A_158 : i32
    %add3A_160 = vector.broadcast %add3A_159 : i32 to vector<16xi32>
    %add3A_161 = arith.addi %iota3A, %add3A_160 : vector<16xi32>
    %eq3A_162 = arith.cmpi eq, %get3A_155, %broadcast_in_dim3A_6 : vector<16xi32>
    %lt3A_163 = arith.cmpi slt, %get3A_155, %get3A_1 : vector<16xi32>
    %or3A_164 = arith.ori %eq3A_162, %lt3A_163 : vector<16xi1>
    %eq3A_165 = arith.cmpi eq, %get3A_155, %get3A_1 : vector<16xi32>
    %lt3A_166 = arith.cmpi slt, %add3A_161, %get3A_3 : vector<16xi32>
    %and3A_167 = arith.andi %eq3A_165, %lt3A_166 : vector<16xi1>
    %or3A_168 = arith.ori %or3A_164, %and3A_167 : vector<16xi1>
    %jit3A_169 = arith.constant 0.000000e+00 : f32
    %broadcast_in_dim3A_170 = vector.broadcast %jit3A_169 : f32 to vector<16xf32>
    %select_n3A_171 = arith.select %or3A_168, %get3A_157, %broadcast_in_dim3A_170 : vector<16xi1>, vector<16xf32>
    %add3A_172 = arith.addf %add3A_153, %select_n3A_171 : vector<16xf32>
    %get3A_173 = arith.constant 144 : index
    %get3A_174 = tpu.vector_load %arg6[%get3A_173] {strides = array<i32>} : memref<1024xi32, #tpu.memory_space<vmem>>, vector<16xi32>,
    %get3A_175 = arith.constant 144 : index
    %get3A_176 = tpu.vector_load %arg7[%get3A_175] {strides = array<i32>} : memref<1024xf32, #tpu.memory_space<vmem>>, vector<16xf32>,
    %add3A_177 = arith.constant 144 : i32
    %add3A_178 = arith.addi %mul3A_0, %add3A_177 : i32
    %add3A_179 = vector.broadcast %add3A_178 : i32 to vector<16xi32>
    %add3A_180 = arith.addi %iota3A, %add3A_179 : vector<16xi32>
    %eq3A_181 = arith.cmpi eq, %get3A_174, %broadcast_in_dim3A_6 : vector<16xi32>
    %lt3A_182 = arith.cmpi slt, %get3A_174, %get3A_1 : vector<16xi32>
    %or3A_183 = arith.ori %eq3A_181, %lt3A_182 : vector<16xi1>
    %eq3A_184 = arith.cmpi eq, %get3A_174, %get3A_1 : vector<16xi32>
    %lt3A_185 = arith.cmpi slt, %add3A_180, %get3A_3 : vector<16xi32>
    %and3A_186 = arith.andi %eq3A_184, %lt3A_185 : vector<16xi1>
    %or3A_187 = arith.ori %or3A_183, %and3A_186 : vector<16xi1>
    %jit3A_188 = arith.constant 0.000000e+00 : f32
    %broadcast_in_dim3A_189 = vector.broadcast %jit3A_188 : f32 to vector<16xf32>
    %select_n3A_190 = arith.select %or3A_187, %get3A_176, %broadcast_in_dim3A_189 : vector<16xi1>, vector<16xf32>
    %add3A_191 = arith.addf %add3A_172, %select_n3A_190 : vector<16xf32>
    %get3A_192 = arith.constant 160 : index
    %get3A_193 = tpu.vector_load %arg6[%get3A_192] {strides = array<i32>} : memref<1024xi32, #tpu.memory_space<vmem>>, vector<16xi32>,
    %get3A_194 = arith.constant 160 : index
    %get3A_195 = tpu.vector_load %arg7[%get3A_194] {strides = array<i32>} : memref<1024xf32, #tpu.memory_space<vmem>>, vector<16xf32>,
    %add3A_196 = arith.constant 160 : i32
    %add3A_197 = arith.addi %mul3A_0, %add3A_196 : i32
    %add3A_198 = vector.broadcast %add3A_197 : i32 to vector<16xi32>
    %add3A_199 = arith.addi %iota3A, %add3A_198 : vector<16xi32>
    %eq3A_200 = arith.cmpi eq, %get3A_193, %broadcast_in_dim3A_6 : vector<16xi32>
    %lt3A_201 = arith.cmpi slt, %get3A_193, %get3A_1 : vector<16xi32>
    %or3A_202 = arith.ori %eq3A_200, %lt3A_201 : vector<16xi1>
    %eq3A_203 = arith.cmpi eq, %get3A_193, %get3A_1 : vector<16xi32>
    %lt3A_204 = arith.cmpi slt, %add3A_199, %get3A_3 : vector<16xi32>
    %and3A_205 = arith.andi %eq3A_203, %lt3A_204 : vector<16xi1>
    %or3A_206 = arith.ori %or3A_202, %and3A_205 : vector<16xi1>
    %jit3A_207 = arith.constant 0.000000e+00 : f32
    %broadcast_in_dim3A_208 = vector.broadcast %jit3A_207 : f32 to vector<16xf32>
    %select_n3A_209 = arith.select %or3A_206, %get3A_195, %broadcast_in_dim3A_208 : vector<16xi1>, vector<16xf32>
    %add3A_210 = arith.addf %add3A_191, %select_n3A_209 : vector<16xf32>
    %get3A_211 = arith.constant 176 : index
    %get3A_212 = tpu.vector_load %arg6[%get3A_211] {strides = array<i32>} : memref<1024xi32, #tpu.memory_space<vmem>>, vector<16xi32>,
    %get3A_213 = arith.constant 176 : index
    %get3A_214 = tpu.vector_load %arg7[%get3A_213] {strides = array<i32>} : memref<1024xf32, #tpu.memory_space<vmem>>, vector<16xf32>,
    %add3A_215 = arith.constant 176 : i32
    %add3A_216 = arith.addi %mul3A_0, %add3A_215 : i32
    %add3A_217 = vector.broadcast %add3A_216 : i32 to vector<16xi32>
    %add3A_218 = arith.addi %iota3A, %add3A_217 : vector<16xi32>
    %eq3A_219 = arith.cmpi eq, %get3A_212, %broadcast_in_dim3A_6 : vector<16xi32>
    %lt3A_220 = arith.cmpi slt, %get3A_212, %get3A_1 : vector<16xi32>
    %or3A_221 = arith.ori %eq3A_219, %lt3A_220 : vector<16xi1>
    %eq3A_222 = arith.cmpi eq, %get3A_212, %get3A_1 : vector<16xi32>
    %lt3A_223 = arith.cmpi slt, %add3A_218, %get3A_3 : vector<16xi32>
    %and3A_224 = arith.andi %eq3A_222, %lt3A_223 : vector<16xi1>
    %or3A_225 = arith.ori %or3A_221, %and3A_224 : vector<16xi1>
    %jit3A_226 = arith.constant 0.000000e+00 : f32
    %broadcast_in_dim3A_227 = vector.broadcast %jit3A_226 : f32 to vector<16xf32>
    %select_n3A_228 = arith.select %or3A_225, %get3A_214, %broadcast_in_dim3A_227 : vector<16xi1>, vector<16xf32>
    %add3A_229 = arith.addf %add3A_210, %select_n3A_228 : vector<16xf32>
    %get3A_230 = arith.constant 192 : index
    %get3A_231 = tpu.vector_load %arg6[%get3A_230] {strides = array<i32>} : memref<1024xi32, #tpu.memory_space<vmem>>, vector<16xi32>,
    %get3A_232 = arith.constant 192 : index
    %get3A_233 = tpu.vector_load %arg7[%get3A_232] {strides = array<i32>} : memref<1024xf32, #tpu.memory_space<vmem>>, vector<16xf32>,
    %add3A_234 = arith.constant 192 : i32
    %add3A_235 = arith.addi %mul3A_0, %add3A_234 : i32
    %add3A_236 = vector.broadcast %add3A_235 : i32 to vector<16xi32>
    %add3A_237 = arith.addi %iota3A, %add3A_236 : vector<16xi32>
    %eq3A_238 = arith.cmpi eq, %get3A_231, %broadcast_in_dim3A_6 : vector<16xi32>
    %lt3A_239 = arith.cmpi slt, %get3A_231, %get3A_1 : vector<16xi32>
    %or3A_240 = arith.ori %eq3A_238, %lt3A_239 : vector<16xi1>
    %eq3A_241 = arith.cmpi eq, %get3A_231, %get3A_1 : vector<16xi32>
    %lt3A_242 = arith.cmpi slt, %add3A_237, %get3A_3 : vector<16xi32>
    %and3A_243 = arith.andi %eq3A_241, %lt3A_242 : vector<16xi1>
    %or3A_244 = arith.ori %or3A_240, %and3A_243 : vector<16xi1>
    %jit3A_245 = arith.constant 0.000000e+00 : f32
    %broadcast_in_dim3A_246 = vector.broadcast %jit3A_245 : f32 to vector<16xf32>
    %select_n3A_247 = arith.select %or3A_244, %get3A_233, %broadcast_in_dim3A_246 : vector<16xi1>, vector<16xf32>
    %add3A_248 = arith.addf %add3A_229, %select_n3A_247 : vector<16xf32>
    %get3A_249 = arith.constant 208 : index
    %get3A_250 = tpu.vector_load %arg6[%get3A_249] {strides = array<i32>} : memref<1024xi32, #tpu.memory_space<vmem>>, vector<16xi32>,
    %get3A_251 = arith.constant 208 : index
    %get3A_252 = tpu.vector_load %arg7[%get3A_251] {strides = array<i32>} : memref<1024xf32, #tpu.memory_space<vmem>>, vector<16xf32>,
    %add3A_253 = arith.constant 208 : i32
    %add3A_254 = arith.addi %mul3A_0, %add3A_253 : i32
    %add3A_255 = vector.broadcast %add3A_254 : i32 to vector<16xi32>
    %add3A_256 = arith.addi %iota3A, %add3A_255 : vector<16xi32>
    %eq3A_257 = arith.cmpi eq, %get3A_250, %broadcast_in_dim3A_6 : vector<16xi32>
    %lt3A_258 = arith.cmpi slt, %get3A_250, %get3A_1 : vector<16xi32>
    %or3A_259 = arith.ori %eq3A_257, %lt3A_258 : vector<16xi1>
    %eq3A_260 = arith.cmpi eq, %get3A_250, %get3A_1 : vector<16xi32>
    %lt3A_261 = arith.cmpi slt, %add3A_256, %get3A_3 : vector<16xi32>
    %and3A_262 = arith.andi %eq3A_260, %lt3A_261 : vector<16xi1>
    %or3A_263 = arith.ori %or3A_259, %and3A_262 : vector<16xi1>
    %jit3A_264 = arith.constant 0.000000e+00 : f32
    %broadcast_in_dim3A_265 = vector.broadcast %jit3A_264 : f32 to vector<16xf32>
    %select_n3A_266 = arith.select %or3A_263, %get3A_252, %broadcast_in_dim3A_265 : vector<16xi1>, vector<16xf32>
    %add3A_267 = arith.addf %add3A_248, %select_n3A_266 : vector<16xf32>
    %get3A_268 = arith.constant 224 : index
    %get3A_269 = tpu.vector_load %arg6[%get3A_268] {strides = array<i32>} : memref<1024xi32, #tpu.memory_space<vmem>>, vector<16xi32>,
    %get3A_270 = arith.constant 224 : index
    %get3A_271 = tpu.vector_load %arg7[%get3A_270] {strides = array<i32>} : memref<1024xf32, #tpu.memory_space<vmem>>, vector<16xf32>,
    %add3A_272 = arith.constant 224 : i32
    %add3A_273 = arith.addi %mul3A_0, %add3A_272 : i32
    %add3A_274 = vector.broadcast %add3A_273 : i32 to vector<16xi32>
    %add3A_275 = arith.addi %iota3A, %add3A_274 : vector<16xi32>
    %eq3A_276 = arith.cmpi eq, %get3A_269, %broadcast_in_dim3A_6 : vector<16xi32>
    %lt3A_277 = arith.cmpi slt, %get3A_269, %get3A_1 : vector<16xi32>
    %or3A_278 = arith.ori %eq3A_276, %lt3A_277 : vector<16xi1>
    %eq3A_279 = arith.cmpi eq, %get3A_269, %get3A_1 : vector<16xi32>
    %lt3A_280 = arith.cmpi slt, %add3A_275, %get3A_3 : vector<16xi32>
    %and3A_281 = arith.andi %eq3A_279, %lt3A_280 : vector<16xi1>
    %or3A_282 = arith.ori %or3A_278, %and3A_281 : vector<16xi1>
    %jit3A_283 = arith.constant 0.000000e+00 : f32
    %broadcast_in_dim3A_284 = vector.broadcast %jit3A_283 : f32 to vector<16xf32>
    %select_n3A_285 = arith.select %or3A_282, %get3A_271, %broadcast_in_dim3A_284 : vector<16xi1>, vector<16xf32>
    %add3A_286 = arith.addf %add3A_267, %select_n3A_285 : vector<16xf32>
    %get3A_287 = arith.constant 240 : index
    %get3A_288 = tpu.vector_load %arg6[%get3A_287] {strides = array<i32>} : memref<1024xi32, #tpu.memory_space<vmem>>, vector<16xi32>,
    %get3A_289 = arith.constant 240 : index
    %get3A_290 = tpu.vector_load %arg7[%get3A_289] {strides = array<i32>} : memref<1024xf32, #tpu.memory_space<vmem>>, vector<16xf32>,
    %add3A_291 = arith.constant 240 : i32
    %add3A_292 = arith.addi %mul3A_0, %add3A_291 : i32
    %add3A_293 = vector.broadcast %add3A_292 : i32 to vector<16xi32>
    %add3A_294 = arith.addi %iota3A, %add3A_293 : vector<16xi32>
    %eq3A_295 = arith.cmpi eq, %get3A_288, %broadcast_in_dim3A_6 : vector<16xi32>
    %lt3A_296 = arith.cmpi slt, %get3A_288, %get3A_1 : vector<16xi32>
    %or3A_297 = arith.ori %eq3A_295, %lt3A_296 : vector<16xi1>
    %eq3A_298 = arith.cmpi eq, %get3A_288, %get3A_1 : vector<16xi32>
    %lt3A_299 = arith.cmpi slt, %add3A_294, %get3A_3 : vector<16xi32>
    %and3A_300 = arith.andi %eq3A_298, %lt3A_299 : vector<16xi1>
    %or3A_301 = arith.ori %or3A_297, %and3A_300 : vector<16xi1>
    %jit3A_302 = arith.constant 0.000000e+00 : f32
    %broadcast_in_dim3A_303 = vector.broadcast %jit3A_302 : f32 to vector<16xf32>
    %select_n3A_304 = arith.select %or3A_301, %get3A_290, %broadcast_in_dim3A_303 : vector<16xi1>, vector<16xf32>
    %add3A_305 = arith.addf %add3A_286, %select_n3A_304 : vector<16xf32>
    %get3A_306 = arith.constant 256 : index
    %get3A_307 = tpu.vector_load %arg6[%get3A_306] {strides = array<i32>} : memref<1024xi32, #tpu.memory_space<vmem>>, vector<16xi32>,
    %get3A_308 = arith.constant 256 : index
    %get3A_309 = tpu.vector_load %arg7[%get3A_308] {strides = array<i32>} : memref<1024xf32, #tpu.memory_space<vmem>>, vector<16xf32>,
    %add3A_310 = arith.constant 256 : i32
    %add3A_311 = arith.addi %mul3A_0, %add3A_310 : i32
    %add3A_312 = vector.broadcast %add3A_311 : i32 to vector<16xi32>
    %add3A_313 = arith.addi %iota3A, %add3A_312 : vector<16xi32>
    %eq3A_314 = arith.cmpi eq, %get3A_307, %broadcast_in_dim3A_6 : vector<16xi32>
    %lt3A_315 = arith.cmpi slt, %get3A_307, %get3A_1 : vector<16xi32>
    %or3A_316 = arith.ori %eq3A_314, %lt3A_315 : vector<16xi1>
    %eq3A_317 = arith.cmpi eq, %get3A_307, %get3A_1 : vector<16xi32>
    %lt3A_318 = arith.cmpi slt, %add3A_313, %get3A_3 : vector<16xi32>
    %and3A_319 = arith.andi %eq3A_317, %lt3A_318 : vector<16xi1>
    %or3A_320 = arith.ori %or3A_316, %and3A_319 : vector<16xi1>
    %jit3A_321 = arith.constant 0.000000e+00 : f32
    %broadcast_in_dim3A_322 = vector.broadcast %jit3A_321 : f32 to vector<16xf32>
    %select_n3A_323 = arith.select %or3A_320, %get3A_309, %broadcast_in_dim3A_322 : vector<16xi1>, vector<16xf32>
    %add3A_324 = arith.addf %add3A_305, %select_n3A_323 : vector<16xf32>
    %get3A_325 = arith.constant 272 : index
    %get3A_326 = tpu.vector_load %arg6[%get3A_325] {strides = array<i32>} : memref<1024xi32, #tpu.memory_space<vmem>>, vector<16xi32>,
    %get3A_327 = arith.constant 272 : index
    %get3A_328 = tpu.vector_load %arg7[%get3A_327] {strides = array<i32>} : memref<1024xf32, #tpu.memory_space<vmem>>, vector<16xf32>,
    %add3A_329 = arith.constant 272 : i32
    %add3A_330 = arith.addi %mul3A_0, %add3A_329 : i32
    %add3A_331 = vector.broadcast %add3A_330 : i32 to vector<16xi32>
    %add3A_332 = arith.addi %iota3A, %add3A_331 : vector<16xi32>
    %eq3A_333 = arith.cmpi eq, %get3A_326, %broadcast_in_dim3A_6 : vector<16xi32>
    %lt3A_334 = arith.cmpi slt, %get3A_326, %get3A_1 : vector<16xi32>
    %or3A_335 = arith.ori %eq3A_333, %lt3A_334 : vector<16xi1>
    %eq3A_336 = arith.cmpi eq, %get3A_326, %get3A_1 : vector<16xi32>
    %lt3A_337 = arith.cmpi slt, %add3A_332, %get3A_3 : vector<16xi32>
    %and3A_338 = arith.andi %eq3A_336, %lt3A_337 : vector<16xi1>
    %or3A_339 = arith.ori %or3A_335, %and3A_338 : vector<16xi1>
    %jit3A_340 = arith.constant 0.000000e+00 : f32
    %broadcast_in_dim3A_341 = vector.broadcast %jit3A_340 : f32 to vector<16xf32>
    %select_n3A_342 = arith.select %or3A_339, %get3A_328, %broadcast_in_dim3A_341 : vector<16xi1>, vector<16xf32>
    %add3A_343 = arith.addf %add3A_324, %select_n3A_342 : vector<16xf32>
    %get3A_344 = arith.constant 288 : index
    %get3A_345 = tpu.vector_load %arg6[%get3A_344] {strides = array<i32>} : memref<1024xi32, #tpu.memory_space<vmem>>, vector<16xi32>,
    %get3A_346 = arith.constant 288 : index
    %get3A_347 = tpu.vector_load %arg7[%get3A_346] {strides = array<i32>} : memref<1024xf32, #tpu.memory_space<vmem>>, vector<16xf32>,
    %add3A_348 = arith.constant 288 : i32
    %add3A_349 = arith.addi %mul3A_0, %add3A_348 : i32
    %add3A_350 = vector.broadcast %add3A_349 : i32 to vector<16xi32>
    %add3A_351 = arith.addi %iota3A, %add3A_350 : vector<16xi32>
    %eq3A_352 = arith.cmpi eq, %get3A_345, %broadcast_in_dim3A_6 : vector<16xi32>
    %lt3A_353 = arith.cmpi slt, %get3A_345, %get3A_1 : vector<16xi32>
    %or3A_354 = arith.ori %eq3A_352, %lt3A_353 : vector<16xi1>
    %eq3A_355 = arith.cmpi eq, %get3A_345, %get3A_1 : vector<16xi32>
    %lt3A_356 = arith.cmpi slt, %add3A_351, %get3A_3 : vector<16xi32>
    %and3A_357 = arith.andi %eq3A_355, %lt3A_356 : vector<16xi1>
    %or3A_358 = arith.ori %or3A_354, %and3A_357 : vector<16xi1>
    %jit3A_359 = arith.constant 0.000000e+00 : f32
    %broadcast_in_dim3A_360 = vector.broadcast %jit3A_359 : f32 to vector<16xf32>
    %select_n3A_361 = arith.select %or3A_358, %get3A_347, %broadcast_in_dim3A_360 : vector<16xi1>, vector<16xf32>
    %add3A_362 = arith.addf %add3A_343, %select_n3A_361 : vector<16xf32>
    %get3A_363 = arith.constant 304 : index
    %get3A_364 = tpu.vector_load %arg6[%get3A_363] {strides = array<i32>} : memref<1024xi32, #tpu.memory_space<vmem>>, vector<16xi32>,
    %get3A_365 = arith.constant 304 : index
    %get3A_366 = tpu.vector_load %arg7[%get3A_365] {strides = array<i32>} : memref<1024xf32, #tpu.memory_space<vmem>>, vector<16xf32>,
    %add3A_367 = arith.constant 304 : i32
    %add3A_368 = arith.addi %mul3A_0, %add3A_367 : i32
    %add3A_369 = vector.broadcast %add3A_368 : i32 to vector<16xi32>
    %add3A_370 = arith.addi %iota3A, %add3A_369 : vector<16xi32>
    %eq3A_371 = arith.cmpi eq, %get3A_364, %broadcast_in_dim3A_6 : vector<16xi32>
    %lt3A_372 = arith.cmpi slt, %get3A_364, %get3A_1 : vector<16xi32>
    %or3A_373 = arith.ori %eq3A_371, %lt3A_372 : vector<16xi1>
    %eq3A_374 = arith.cmpi eq, %get3A_364, %get3A_1 : vector<16xi32>
    %lt3A_375 = arith.cmpi slt, %add3A_370, %get3A_3 : vector<16xi32>
    %and3A_376 = arith.andi %eq3A_374, %lt3A_375 : vector<16xi1>
    %or3A_377 = arith.ori %or3A_373, %and3A_376 : vector<16xi1>
    %jit3A_378 = arith.constant 0.000000e+00 : f32
    %broadcast_in_dim3A_379 = vector.broadcast %jit3A_378 : f32 to vector<16xf32>
    %select_n3A_380 = arith.select %or3A_377, %get3A_366, %broadcast_in_dim3A_379 : vector<16xi1>, vector<16xf32>
    %add3A_381 = arith.addf %add3A_362, %select_n3A_380 : vector<16xf32>
    %get3A_382 = arith.constant 320 : index
    %get3A_383 = tpu.vector_load %arg6[%get3A_382] {strides = array<i32>} : memref<1024xi32, #tpu.memory_space<vmem>>, vector<16xi32>,
    %get3A_384 = arith.constant 320 : index
    %get3A_385 = tpu.vector_load %arg7[%get3A_384] {strides = array<i32>} : memref<1024xf32, #tpu.memory_space<vmem>>, vector<16xf32>,
    %add3A_386 = arith.constant 320 : i32
    %add3A_387 = arith.addi %mul3A_0, %add3A_386 : i32
    %add3A_388 = vector.broadcast %add3A_387 : i32 to vector<16xi32>
    %add3A_389 = arith.addi %iota3A, %add3A_388 : vector<16xi32>
    %eq3A_390 = arith.cmpi eq, %get3A_383, %broadcast_in_dim3A_6 : vector<16xi32>
    %lt3A_391 = arith.cmpi slt, %get3A_383, %get3A_1 : vector<16xi32>
    %or3A_392 = arith.ori %eq3A_390, %lt3A_391 : vector<16xi1>
    %eq3A_393 = arith.cmpi eq, %get3A_383, %get3A_1 : vector<16xi32>
    %lt3A_394 = arith.cmpi slt, %add3A_389, %get3A_3 : vector<16xi32>
    %and3A_395 = arith.andi %eq3A_393, %lt3A_394 : vector<16xi1>
    %or3A_396 = arith.ori %or3A_392, %and3A_395 : vector<16xi1>
    %jit3A_397 = arith.constant 0.000000e+00 : f32
    %broadcast_in_dim3A_398 = vector.broadcast %jit3A_397 : f32 to vector<16xf32>
    %select_n3A_399 = arith.select %or3A_396, %get3A_385, %broadcast_in_dim3A_398 : vector<16xi1>, vector<16xf32>
    %add3A_400 = arith.addf %add3A_381, %select_n3A_399 : vector<16xf32>
    %get3A_401 = arith.constant 336 : index
    %get3A_402 = tpu.vector_load %arg6[%get3A_401] {strides = array<i32>} : memref<1024xi32, #tpu.memory_space<vmem>>, vector<16xi32>,
    %get3A_403 = arith.constant 336 : index
    %get3A_404 = tpu.vector_load %arg7[%get3A_403] {strides = array<i32>} : memref<1024xf32, #tpu.memory_space<vmem>>, vector<16xf32>,
    %add3A_405 = arith.constant 336 : i32
    %add3A_406 = arith.addi %mul3A_0, %add3A_405 : i32
    %add3A_407 = vector.broadcast %add3A_406 : i32 to vector<16xi32>
    %add3A_408 = arith.addi %iota3A, %add3A_407 : vector<16xi32>
    %eq3A_409 = arith.cmpi eq, %get3A_402, %broadcast_in_dim3A_6 : vector<16xi32>
    %lt3A_410 = arith.cmpi slt, %get3A_402, %get3A_1 : vector<16xi32>
    %or3A_411 = arith.ori %eq3A_409, %lt3A_410 : vector<16xi1>
    %eq3A_412 = arith.cmpi eq, %get3A_402, %get3A_1 : vector<16xi32>
    %lt3A_413 = arith.cmpi slt, %add3A_408, %get3A_3 : vector<16xi32>
    %and3A_414 = arith.andi %eq3A_412, %lt3A_413 : vector<16xi1>
    %or3A_415 = arith.ori %or3A_411, %and3A_414 : vector<16xi1>
    %jit3A_416 = arith.constant 0.000000e+00 : f32
    %broadcast_in_dim3A_417 = vector.broadcast %jit3A_416 : f32 to vector<16xf32>
    %select_n3A_418 = arith.select %or3A_415, %get3A_404, %broadcast_in_dim3A_417 : vector<16xi1>, vector<16xf32>
    %add3A_419 = arith.addf %add3A_400, %select_n3A_418 : vector<16xf32>
    %get3A_420 = arith.constant 352 : index
    %get3A_421 = tpu.vector_load %arg6[%get3A_420] {strides = array<i32>} : memref<1024xi32, #tpu.memory_space<vmem>>, vector<16xi32>,
    %get3A_422 = arith.constant 352 : index
    %get3A_423 = tpu.vector_load %arg7[%get3A_422] {strides = array<i32>} : memref<1024xf32, #tpu.memory_space<vmem>>, vector<16xf32>,
    %add3A_424 = arith.constant 352 : i32
    %add3A_425 = arith.addi %mul3A_0, %add3A_424 : i32
    %add3A_426 = vector.broadcast %add3A_425 : i32 to vector<16xi32>
    %add3A_427 = arith.addi %iota3A, %add3A_426 : vector<16xi32>
    %eq3A_428 = arith.cmpi eq, %get3A_421, %broadcast_in_dim3A_6 : vector<16xi32>
    %lt3A_429 = arith.cmpi slt, %get3A_421, %get3A_1 : vector<16xi32>
    %or3A_430 = arith.ori %eq3A_428, %lt3A_429 : vector<16xi1>
    %eq3A_431 = arith.cmpi eq, %get3A_421, %get3A_1 : vector<16xi32>
    %lt3A_432 = arith.cmpi slt, %add3A_427, %get3A_3 : vector<16xi32>
    %and3A_433 = arith.andi %eq3A_431, %lt3A_432 : vector<16xi1>
    %or3A_434 = arith.ori %or3A_430, %and3A_433 : vector<16xi1>
    %jit3A_435 = arith.constant 0.000000e+00 : f32
    %broadcast_in_dim3A_436 = vector.broadcast %jit3A_435 : f32 to vector<16xf32>
    %select_n3A_437 = arith.select %or3A_434, %get3A_423, %broadcast_in_dim3A_436 : vector<16xi1>, vector<16xf32>
    %add3A_438 = arith.addf %add3A_419, %select_n3A_437 : vector<16xf32>
    %get3A_439 = arith.constant 368 : index
    %get3A_440 = tpu.vector_load %arg6[%get3A_439] {strides = array<i32>} : memref<1024xi32, #tpu.memory_space<vmem>>, vector<16xi32>,
    %get3A_441 = arith.constant 368 : index
    %get3A_442 = tpu.vector_load %arg7[%get3A_441] {strides = array<i32>} : memref<1024xf32, #tpu.memory_space<vmem>>, vector<16xf32>,
    %add3A_443 = arith.constant 368 : i32
    %add3A_444 = arith.addi %mul3A_0, %add3A_443 : i32
    %add3A_445 = vector.broadcast %add3A_444 : i32 to vector<16xi32>
    %add3A_446 = arith.addi %iota3A, %add3A_445 : vector<16xi32>
    %eq3A_447 = arith.cmpi eq, %get3A_440, %broadcast_in_dim3A_6 : vector<16xi32>
    %lt3A_448 = arith.cmpi slt, %get3A_440, %get3A_1 : vector<16xi32>
    %or3A_449 = arith.ori %eq3A_447, %lt3A_448 : vector<16xi1>
    %eq3A_450 = arith.cmpi eq, %get3A_440, %get3A_1 : vector<16xi32>
    %lt3A_451 = arith.cmpi slt, %add3A_446, %get3A_3 : vector<16xi32>
    %and3A_452 = arith.andi %eq3A_450, %lt3A_451 : vector<16xi1>
    %or3A_453 = arith.ori %or3A_449, %and3A_452 : vector<16xi1>
    %jit3A_454 = arith.constant 0.000000e+00 : f32
    %broadcast_in_dim3A_455 = vector.broadcast %jit3A_454 : f32 to vector<16xf32>
    %select_n3A_456 = arith.select %or3A_453, %get3A_442, %broadcast_in_dim3A_455 : vector<16xi1>, vector<16xf32>
    %add3A_457 = arith.addf %add3A_438, %select_n3A_456 : vector<16xf32>
    %get3A_458 = arith.constant 384 : index
    %get3A_459 = tpu.vector_load %arg6[%get3A_458] {strides = array<i32>} : memref<1024xi32, #tpu.memory_space<vmem>>, vector<16xi32>,
    %get3A_460 = arith.constant 384 : index
    %get3A_461 = tpu.vector_load %arg7[%get3A_460] {strides = array<i32>} : memref<1024xf32, #tpu.memory_space<vmem>>, vector<16xf32>,
    %add3A_462 = arith.constant 384 : i32
    %add3A_463 = arith.addi %mul3A_0, %add3A_462 : i32
    %add3A_464 = vector.broadcast %add3A_463 : i32 to vector<16xi32>
    %add3A_465 = arith.addi %iota3A, %add3A_464 : vector<16xi32>
    %eq3A_466 = arith.cmpi eq, %get3A_459, %broadcast_in_dim3A_6 : vector<16xi32>
    %lt3A_467 = arith.cmpi slt, %get3A_459, %get3A_1 : vector<16xi32>
    %or3A_468 = arith.ori %eq3A_466, %lt3A_467 : vector<16xi1>
    %eq3A_469 = arith.cmpi eq, %get3A_459, %get3A_1 : vector<16xi32>
    %lt3A_470 = arith.cmpi slt, %add3A_465, %get3A_3 : vector<16xi32>
    %and3A_471 = arith.andi %eq3A_469, %lt3A_470 : vector<16xi1>
    %or3A_472 = arith.ori %or3A_468, %and3A_471 : vector<16xi1>
    %jit3A_473 = arith.constant 0.000000e+00 : f32
    %broadcast_in_dim3A_474 = vector.broadcast %jit3A_473 : f32 to vector<16xf32>
    %select_n3A_475 = arith.select %or3A_472, %get3A_461, %broadcast_in_dim3A_474 : vector<16xi1>, vector<16xf32>
    %add3A_476 = arith.addf %add3A_457, %select_n3A_475 : vector<16xf32>
    %get3A_477 = arith.constant 400 : index
    %get3A_478 = tpu.vector_load %arg6[%get3A_477] {strides = array<i32>} : memref<1024xi32, #tpu.memory_space<vmem>>, vector<16xi32>,
    %get3A_479 = arith.constant 400 : index
    %get3A_480 = tpu.vector_load %arg7[%get3A_479] {strides = array<i32>} : memref<1024xf32, #tpu.memory_space<vmem>>, vector<16xf32>,
    %add3A_481 = arith.constant 400 : i32
    %add3A_482 = arith.addi %mul3A_0, %add3A_481 : i32
    %add3A_483 = vector.broadcast %add3A_482 : i32 to vector<16xi32>
    %add3A_484 = arith.addi %iota3A, %add3A_483 : vector<16xi32>
    %eq3A_485 = arith.cmpi eq, %get3A_478, %broadcast_in_dim3A_6 : vector<16xi32>
    %lt3A_486 = arith.cmpi slt, %get3A_478, %get3A_1 : vector<16xi32>
    %or3A_487 = arith.ori %eq3A_485, %lt3A_486 : vector<16xi1>
    %eq3A_488 = arith.cmpi eq, %get3A_478, %get3A_1 : vector<16xi32>
    %lt3A_489 = arith.cmpi slt, %add3A_484, %get3A_3 : vector<16xi32>
    %and3A_490 = arith.andi %eq3A_488, %lt3A_489 : vector<16xi1>
    %or3A_491 = arith.ori %or3A_487, %and3A_490 : vector<16xi1>
    %jit3A_492 = arith.constant 0.000000e+00 : f32
    %broadcast_in_dim3A_493 = vector.broadcast %jit3A_492 : f32 to vector<16xf32>
    %select_n3A_494 = arith.select %or3A_491, %get3A_480, %broadcast_in_dim3A_493 : vector<16xi1>, vector<16xf32>
    %add3A_495 = arith.addf %add3A_476, %select_n3A_494 : vector<16xf32>
    %get3A_496 = arith.constant 416 : index
    %get3A_497 = tpu.vector_load %arg6[%get3A_496] {strides = array<i32>} : memref<1024xi32, #tpu.memory_space<vmem>>, vector<16xi32>,
    %get3A_498 = arith.constant 416 : index
    %get3A_499 = tpu.vector_load %arg7[%get3A_498] {strides = array<i32>} : memref<1024xf32, #tpu.memory_space<vmem>>, vector<16xf32>,
    %add3A_500 = arith.constant 416 : i32
    %add3A_501 = arith.addi %mul3A_0, %add3A_500 : i32
    %add3A_502 = vector.broadcast %add3A_501 : i32 to vector<16xi32>
    %add3A_503 = arith.addi %iota3A, %add3A_502 : vector<16xi32>
    %eq3A_504 = arith.cmpi eq, %get3A_497, %broadcast_in_dim3A_6 : vector<16xi32>
    %lt3A_505 = arith.cmpi slt, %get3A_497, %get3A_1 : vector<16xi32>
    %or3A_506 = arith.ori %eq3A_504, %lt3A_505 : vector<16xi1>
    %eq3A_507 = arith.cmpi eq, %get3A_497, %get3A_1 : vector<16xi32>
    %lt3A_508 = arith.cmpi slt, %add3A_503, %get3A_3 : vector<16xi32>
    %and3A_509 = arith.andi %eq3A_507, %lt3A_508 : vector<16xi1>
    %or3A_510 = arith.ori %or3A_506, %and3A_509 : vector<16xi1>
    %jit3A_511 = arith.constant 0.000000e+00 : f32
    %broadcast_in_dim3A_512 = vector.broadcast %jit3A_511 : f32 to vector<16xf32>
    %select_n3A_513 = arith.select %or3A_510, %get3A_499, %broadcast_in_dim3A_512 : vector<16xi1>, vector<16xf32>
    %add3A_514 = arith.addf %add3A_495, %select_n3A_513 : vector<16xf32>
    %get3A_515 = arith.constant 432 : index
    %get3A_516 = tpu.vector_load %arg6[%get3A_515] {strides = array<i32>} : memref<1024xi32, #tpu.memory_space<vmem>>, vector<16xi32>,
    %get3A_517 = arith.constant 432 : index
    %get3A_518 = tpu.vector_load %arg7[%get3A_517] {strides = array<i32>} : memref<1024xf32, #tpu.memory_space<vmem>>, vector<16xf32>,
    %add3A_519 = arith.constant 432 : i32
    %add3A_520 = arith.addi %mul3A_0, %add3A_519 : i32
    %add3A_521 = vector.broadcast %add3A_520 : i32 to vector<16xi32>
    %add3A_522 = arith.addi %iota3A, %add3A_521 : vector<16xi32>
    %eq3A_523 = arith.cmpi eq, %get3A_516, %broadcast_in_dim3A_6 : vector<16xi32>
    %lt3A_524 = arith.cmpi slt, %get3A_516, %get3A_1 : vector<16xi32>
    %or3A_525 = arith.ori %eq3A_523, %lt3A_524 : vector<16xi1>
    %eq3A_526 = arith.cmpi eq, %get3A_516, %get3A_1 : vector<16xi32>
    %lt3A_527 = arith.cmpi slt, %add3A_522, %get3A_3 : vector<16xi32>
    %and3A_528 = arith.andi %eq3A_526, %lt3A_527 : vector<16xi1>
    %or3A_529 = arith.ori %or3A_525, %and3A_528 : vector<16xi1>
    %jit3A_530 = arith.constant 0.000000e+00 : f32
    %broadcast_in_dim3A_531 = vector.broadcast %jit3A_530 : f32 to vector<16xf32>
    %select_n3A_532 = arith.select %or3A_529, %get3A_518, %broadcast_in_dim3A_531 : vector<16xi1>, vector<16xf32>
    %add3A_533 = arith.addf %add3A_514, %select_n3A_532 : vector<16xf32>
    %get3A_534 = arith.constant 448 : index
    %get3A_535 = tpu.vector_load %arg6[%get3A_534] {strides = array<i32>} : memref<1024xi32, #tpu.memory_space<vmem>>, vector<16xi32>,
    %get3A_536 = arith.constant 448 : index
    %get3A_537 = tpu.vector_load %arg7[%get3A_536] {strides = array<i32>} : memref<1024xf32, #tpu.memory_space<vmem>>, vector<16xf32>,
    %add3A_538 = arith.constant 448 : i32
    %add3A_539 = arith.addi %mul3A_0, %add3A_538 : i32
    %add3A_540 = vector.broadcast %add3A_539 : i32 to vector<16xi32>
    %add3A_541 = arith.addi %iota3A, %add3A_540 : vector<16xi32>
    %eq3A_542 = arith.cmpi eq, %get3A_535, %broadcast_in_dim3A_6 : vector<16xi32>
    %lt3A_543 = arith.cmpi slt, %get3A_535, %get3A_1 : vector<16xi32>
    %or3A_544 = arith.ori %eq3A_542, %lt3A_543 : vector<16xi1>
    %eq3A_545 = arith.cmpi eq, %get3A_535, %get3A_1 : vector<16xi32>
    %lt3A_546 = arith.cmpi slt, %add3A_541, %get3A_3 : vector<16xi32>
    %and3A_547 = arith.andi %eq3A_545, %lt3A_546 : vector<16xi1>
    %or3A_548 = arith.ori %or3A_544, %and3A_547 : vector<16xi1>
    %jit3A_549 = arith.constant 0.000000e+00 : f32
    %broadcast_in_dim3A_550 = vector.broadcast %jit3A_549 : f32 to vector<16xf32>
    %select_n3A_551 = arith.select %or3A_548, %get3A_537, %broadcast_in_dim3A_550 : vector<16xi1>, vector<16xf32>
    %add3A_552 = arith.addf %add3A_533, %select_n3A_551 : vector<16xf32>
    %get3A_553 = arith.constant 464 : index
    %get3A_554 = tpu.vector_load %arg6[%get3A_553] {strides = array<i32>} : memref<1024xi32, #tpu.memory_space<vmem>>, vector<16xi32>,
    %get3A_555 = arith.constant 464 : index
    %get3A_556 = tpu.vector_load %arg7[%get3A_555] {strides = array<i32>} : memref<1024xf32, #tpu.memory_space<vmem>>, vector<16xf32>,
    %add3A_557 = arith.constant 464 : i32
    %add3A_558 = arith.addi %mul3A_0, %add3A_557 : i32
    %add3A_559 = vector.broadcast %add3A_558 : i32 to vector<16xi32>
    %add3A_560 = arith.addi %iota3A, %add3A_559 : vector<16xi32>
    %eq3A_561 = arith.cmpi eq, %get3A_554, %broadcast_in_dim3A_6 : vector<16xi32>
    %lt3A_562 = arith.cmpi slt, %get3A_554, %get3A_1 : vector<16xi32>
    %or3A_563 = arith.ori %eq3A_561, %lt3A_562 : vector<16xi1>
    %eq3A_564 = arith.cmpi eq, %get3A_554, %get3A_1 : vector<16xi32>
    %lt3A_565 = arith.cmpi slt, %add3A_560, %get3A_3 : vector<16xi32>
    %and3A_566 = arith.andi %eq3A_564, %lt3A_565 : vector<16xi1>
    %or3A_567 = arith.ori %or3A_563, %and3A_566 : vector<16xi1>
    %jit3A_568 = arith.constant 0.000000e+00 : f32
    %broadcast_in_dim3A_569 = vector.broadcast %jit3A_568 : f32 to vector<16xf32>
    %select_n3A_570 = arith.select %or3A_567, %get3A_556, %broadcast_in_dim3A_569 : vector<16xi1>, vector<16xf32>
    %add3A_571 = arith.addf %add3A_552, %select_n3A_570 : vector<16xf32>
    %get3A_572 = arith.constant 480 : index
    %get3A_573 = tpu.vector_load %arg6[%get3A_572] {strides = array<i32>} : memref<1024xi32, #tpu.memory_space<vmem>>, vector<16xi32>,
    %get3A_574 = arith.constant 480 : index
    %get3A_575 = tpu.vector_load %arg7[%get3A_574] {strides = array<i32>} : memref<1024xf32, #tpu.memory_space<vmem>>, vector<16xf32>,
    %add3A_576 = arith.constant 480 : i32
    %add3A_577 = arith.addi %mul3A_0, %add3A_576 : i32
    %add3A_578 = vector.broadcast %add3A_577 : i32 to vector<16xi32>
    %add3A_579 = arith.addi %iota3A, %add3A_578 : vector<16xi32>
    %eq3A_580 = arith.cmpi eq, %get3A_573, %broadcast_in_dim3A_6 : vector<16xi32>
    %lt3A_581 = arith.cmpi slt, %get3A_573, %get3A_1 : vector<16xi32>
    %or3A_582 = arith.ori %eq3A_580, %lt3A_581 : vector<16xi1>
    %eq3A_583 = arith.cmpi eq, %get3A_573, %get3A_1 : vector<16xi32>
    %lt3A_584 = arith.cmpi slt, %add3A_579, %get3A_3 : vector<16xi32>
    %and3A_585 = arith.andi %eq3A_583, %lt3A_584 : vector<16xi1>
    %or3A_586 = arith.ori %or3A_582, %and3A_585 : vector<16xi1>
    %jit3A_587 = arith.constant 0.000000e+00 : f32
    %broadcast_in_dim3A_588 = vector.broadcast %jit3A_587 : f32 to vector<16xf32>
    %select_n3A_589 = arith.select %or3A_586, %get3A_575, %broadcast_in_dim3A_588 : vector<16xi1>, vector<16xf32>
    %add3A_590 = arith.addf %add3A_571, %select_n3A_589 : vector<16xf32>
    %get3A_591 = arith.constant 496 : index
    %get3A_592 = tpu.vector_load %arg6[%get3A_591] {strides = array<i32>} : memref<1024xi32, #tpu.memory_space<vmem>>, vector<16xi32>,
    %get3A_593 = arith.constant 496 : index
    %get3A_594 = tpu.vector_load %arg7[%get3A_593] {strides = array<i32>} : memref<1024xf32, #tpu.memory_space<vmem>>, vector<16xf32>,
    %add3A_595 = arith.constant 496 : i32
    %add3A_596 = arith.addi %mul3A_0, %add3A_595 : i32
    %add3A_597 = vector.broadcast %add3A_596 : i32 to vector<16xi32>
    %add3A_598 = arith.addi %iota3A, %add3A_597 : vector<16xi32>
    %eq3A_599 = arith.cmpi eq, %get3A_592, %broadcast_in_dim3A_6 : vector<16xi32>
    %lt3A_600 = arith.cmpi slt, %get3A_592, %get3A_1 : vector<16xi32>
    %or3A_601 = arith.ori %eq3A_599, %lt3A_600 : vector<16xi1>
    %eq3A_602 = arith.cmpi eq, %get3A_592, %get3A_1 : vector<16xi32>
    %lt3A_603 = arith.cmpi slt, %add3A_598, %get3A_3 : vector<16xi32>
    %and3A_604 = arith.andi %eq3A_602, %lt3A_603 : vector<16xi1>
    %or3A_605 = arith.ori %or3A_601, %and3A_604 : vector<16xi1>
    %jit3A_606 = arith.constant 0.000000e+00 : f32
    %broadcast_in_dim3A_607 = vector.broadcast %jit3A_606 : f32 to vector<16xf32>
    %select_n3A_608 = arith.select %or3A_605, %get3A_594, %broadcast_in_dim3A_607 : vector<16xi1>, vector<16xf32>
    %add3A_609 = arith.addf %add3A_590, %select_n3A_608 : vector<16xf32>
    %get3A_610 = arith.constant 512 : index
    %get3A_611 = tpu.vector_load %arg6[%get3A_610] {strides = array<i32>} : memref<1024xi32, #tpu.memory_space<vmem>>, vector<16xi32>,
    %get3A_612 = arith.constant 512 : index
    %get3A_613 = tpu.vector_load %arg7[%get3A_612] {strides = array<i32>} : memref<1024xf32, #tpu.memory_space<vmem>>, vector<16xf32>,
    %add3A_614 = arith.constant 512 : i32
    %add3A_615 = arith.addi %mul3A_0, %add3A_614 : i32
    %add3A_616 = vector.broadcast %add3A_615 : i32 to vector<16xi32>
    %add3A_617 = arith.addi %iota3A, %add3A_616 : vector<16xi32>
    %eq3A_618 = arith.cmpi eq, %get3A_611, %broadcast_in_dim3A_6 : vector<16xi32>
    %lt3A_619 = arith.cmpi slt, %get3A_611, %get3A_1 : vector<16xi32>
    %or3A_620 = arith.ori %eq3A_618, %lt3A_619 : vector<16xi1>
    %eq3A_621 = arith.cmpi eq, %get3A_611, %get3A_1 : vector<16xi32>
    %lt3A_622 = arith.cmpi slt, %add3A_617, %get3A_3 : vector<16xi32>
    %and3A_623 = arith.andi %eq3A_621, %lt3A_622 : vector<16xi1>
    %or3A_624 = arith.ori %or3A_620, %and3A_623 : vector<16xi1>
    %jit3A_625 = arith.constant 0.000000e+00 : f32
    %broadcast_in_dim3A_626 = vector.broadcast %jit3A_625 : f32 to vector<16xf32>
    %select_n3A_627 = arith.select %or3A_624, %get3A_613, %broadcast_in_dim3A_626 : vector<16xi1>, vector<16xf32>
    %add3A_628 = arith.addf %add3A_609, %select_n3A_627 : vector<16xf32>
    %get3A_629 = arith.constant 528 : index
    %get3A_630 = tpu.vector_load %arg6[%get3A_629] {strides = array<i32>} : memref<1024xi32, #tpu.memory_space<vmem>>, vector<16xi32>,
    %get3A_631 = arith.constant 528 : index
    %get3A_632 = tpu.vector_load %arg7[%get3A_631] {strides = array<i32>} : memref<1024xf32, #tpu.memory_space<vmem>>, vector<16xf32>,
    %add3A_633 = arith.constant 528 : i32
    %add3A_634 = arith.addi %mul3A_0, %add3A_633 : i32
    %add3A_635 = vector.broadcast %add3A_634 : i32 to vector<16xi32>
    %add3A_636 = arith.addi %iota3A, %add3A_635 : vector<16xi32>
    %eq3A_637 = arith.cmpi eq, %get3A_630, %broadcast_in_dim3A_6 : vector<16xi32>
    %lt3A_638 = arith.cmpi slt, %get3A_630, %get3A_1 : vector<16xi32>
    %or3A_639 = arith.ori %eq3A_637, %lt3A_638 : vector<16xi1>
    %eq3A_640 = arith.cmpi eq, %get3A_630, %get3A_1 : vector<16xi32>
    %lt3A_641 = arith.cmpi slt, %add3A_636, %get3A_3 : vector<16xi32>
    %and3A_642 = arith.andi %eq3A_640, %lt3A_641 : vector<16xi1>
    %or3A_643 = arith.ori %or3A_639, %and3A_642 : vector<16xi1>
    %jit3A_644 = arith.constant 0.000000e+00 : f32
    %broadcast_in_dim3A_645 = vector.broadcast %jit3A_644 : f32 to vector<16xf32>
    %select_n3A_646 = arith.select %or3A_643, %get3A_632, %broadcast_in_dim3A_645 : vector<16xi1>, vector<16xf32>
    %add3A_647 = arith.addf %add3A_628, %select_n3A_646 : vector<16xf32>
    %get3A_648 = arith.constant 544 : index
    %get3A_649 = tpu.vector_load %arg6[%get3A_648] {strides = array<i32>} : memref<1024xi32, #tpu.memory_space<vmem>>, vector<16xi32>,
    %get3A_650 = arith.constant 544 : index
    %get3A_651 = tpu.vector_load %arg7[%get3A_650] {strides = array<i32>} : memref<1024xf32, #tpu.memory_space<vmem>>, vector<16xf32>,
    %add3A_652 = arith.constant 544 : i32
    %add3A_653 = arith.addi %mul3A_0, %add3A_652 : i32
    %add3A_654 = vector.broadcast %add3A_653 : i32 to vector<16xi32>
    %add3A_655 = arith.addi %iota3A, %add3A_654 : vector<16xi32>
    %eq3A_656 = arith.cmpi eq, %get3A_649, %broadcast_in_dim3A_6 : vector<16xi32>
    %lt3A_657 = arith.cmpi slt, %get3A_649, %get3A_1 : vector<16xi32>
    %or3A_658 = arith.ori %eq3A_656, %lt3A_657 : vector<16xi1>
    %eq3A_659 = arith.cmpi eq, %get3A_649, %get3A_1 : vector<16xi32>
    %lt3A_660 = arith.cmpi slt, %add3A_655, %get3A_3 : vector<16xi32>
    %and3A_661 = arith.andi %eq3A_659, %lt3A_660 : vector<16xi1>
    %or3A_662 = arith.ori %or3A_658, %and3A_661 : vector<16xi1>
    %jit3A_663 = arith.constant 0.000000e+00 : f32
    %broadcast_in_dim3A_664 = vector.broadcast %jit3A_663 : f32 to vector<16xf32>
    %select_n3A_665 = arith.select %or3A_662, %get3A_651, %broadcast_in_dim3A_664 : vector<16xi1>, vector<16xf32>
    %add3A_666 = arith.addf %add3A_647, %select_n3A_665 : vector<16xf32>
    %get3A_667 = arith.constant 560 : index
    %get3A_668 = tpu.vector_load %arg6[%get3A_667] {strides = array<i32>} : memref<1024xi32, #tpu.memory_space<vmem>>, vector<16xi32>,
    %get3A_669 = arith.constant 560 : index
    %get3A_670 = tpu.vector_load %arg7[%get3A_669] {strides = array<i32>} : memref<1024xf32, #tpu.memory_space<vmem>>, vector<16xf32>,
    %add3A_671 = arith.constant 560 : i32
    %add3A_672 = arith.addi %mul3A_0, %add3A_671 : i32
    %add3A_673 = vector.broadcast %add3A_672 : i32 to vector<16xi32>
    %add3A_674 = arith.addi %iota3A, %add3A_673 : vector<16xi32>
    %eq3A_675 = arith.cmpi eq, %get3A_668, %broadcast_in_dim3A_6 : vector<16xi32>
    %lt3A_676 = arith.cmpi slt, %get3A_668, %get3A_1 : vector<16xi32>
    %or3A_677 = arith.ori %eq3A_675, %lt3A_676 : vector<16xi1>
    %eq3A_678 = arith.cmpi eq, %get3A_668, %get3A_1 : vector<16xi32>
    %lt3A_679 = arith.cmpi slt, %add3A_674, %get3A_3 : vector<16xi32>
    %and3A_680 = arith.andi %eq3A_678, %lt3A_679 : vector<16xi1>
    %or3A_681 = arith.ori %or3A_677, %and3A_680 : vector<16xi1>
    %jit3A_682 = arith.constant 0.000000e+00 : f32
    %broadcast_in_dim3A_683 = vector.broadcast %jit3A_682 : f32 to vector<16xf32>
    %select_n3A_684 = arith.select %or3A_681, %get3A_670, %broadcast_in_dim3A_683 : vector<16xi1>, vector<16xf32>
    %add3A_685 = arith.addf %add3A_666, %select_n3A_684 : vector<16xf32>
    %get3A_686 = arith.constant 576 : index
    %get3A_687 = tpu.vector_load %arg6[%get3A_686] {strides = array<i32>} : memref<1024xi32, #tpu.memory_space<vmem>>, vector<16xi32>,
    %get3A_688 = arith.constant 576 : index
    %get3A_689 = tpu.vector_load %arg7[%get3A_688] {strides = array<i32>} : memref<1024xf32, #tpu.memory_space<vmem>>, vector<16xf32>,
    %add3A_690 = arith.constant 576 : i32
    %add3A_691 = arith.addi %mul3A_0, %add3A_690 : i32
    %add3A_692 = vector.broadcast %add3A_691 : i32 to vector<16xi32>
    %add3A_693 = arith.addi %iota3A, %add3A_692 : vector<16xi32>
    %eq3A_694 = arith.cmpi eq, %get3A_687, %broadcast_in_dim3A_6 : vector<16xi32>
    %lt3A_695 = arith.cmpi slt, %get3A_687, %get3A_1 : vector<16xi32>
    %or3A_696 = arith.ori %eq3A_694, %lt3A_695 : vector<16xi1>
    %eq3A_697 = arith.cmpi eq, %get3A_687, %get3A_1 : vector<16xi32>
    %lt3A_698 = arith.cmpi slt, %add3A_693, %get3A_3 : vector<16xi32>
    %and3A_699 = arith.andi %eq3A_697, %lt3A_698 : vector<16xi1>
    %or3A_700 = arith.ori %or3A_696, %and3A_699 : vector<16xi1>
    %jit3A_701 = arith.constant 0.000000e+00 : f32
    %broadcast_in_dim3A_702 = vector.broadcast %jit3A_701 : f32 to vector<16xf32>
    %select_n3A_703 = arith.select %or3A_700, %get3A_689, %broadcast_in_dim3A_702 : vector<16xi1>, vector<16xf32>
    %add3A_704 = arith.addf %add3A_685, %select_n3A_703 : vector<16xf32>
    %get3A_705 = arith.constant 592 : index
    %get3A_706 = tpu.vector_load %arg6[%get3A_705] {strides = array<i32>} : memref<1024xi32, #tpu.memory_space<vmem>>, vector<16xi32>,
    %get3A_707 = arith.constant 592 : index
    %get3A_708 = tpu.vector_load %arg7[%get3A_707] {strides = array<i32>} : memref<1024xf32, #tpu.memory_space<vmem>>, vector<16xf32>,
    %add3A_709 = arith.constant 592 : i32
    %add3A_710 = arith.addi %mul3A_0, %add3A_709 : i32
    %add3A_711 = vector.broadcast %add3A_710 : i32 to vector<16xi32>
    %add3A_712 = arith.addi %iota3A, %add3A_711 : vector<16xi32>
    %eq3A_713 = arith.cmpi eq, %get3A_706, %broadcast_in_dim3A_6 : vector<16xi32>
    %lt3A_714 = arith.cmpi slt, %get3A_706, %get3A_1 : vector<16xi32>
    %or3A_715 = arith.ori %eq3A_713, %lt3A_714 : vector<16xi1>
    %eq3A_716 = arith.cmpi eq, %get3A_706, %get3A_1 : vector<16xi32>
    %lt3A_717 = arith.cmpi slt, %add3A_712, %get3A_3 : vector<16xi32>
    %and3A_718 = arith.andi %eq3A_716, %lt3A_717 : vector<16xi1>
    %or3A_719 = arith.ori %or3A_715, %and3A_718 : vector<16xi1>
    %jit3A_720 = arith.constant 0.000000e+00 : f32
    %broadcast_in_dim3A_721 = vector.broadcast %jit3A_720 : f32 to vector<16xf32>
    %select_n3A_722 = arith.select %or3A_719, %get3A_708, %broadcast_in_dim3A_721 : vector<16xi1>, vector<16xf32>
    %add3A_723 = arith.addf %add3A_704, %select_n3A_722 : vector<16xf32>
    %get3A_724 = arith.constant 608 : index
    %get3A_725 = tpu.vector_load %arg6[%get3A_724] {strides = array<i32>} : memref<1024xi32, #tpu.memory_space<vmem>>, vector<16xi32>,
    %get3A_726 = arith.constant 608 : index
    %get3A_727 = tpu.vector_load %arg7[%get3A_726] {strides = array<i32>} : memref<1024xf32, #tpu.memory_space<vmem>>, vector<16xf32>,
    %add3A_728 = arith.constant 608 : i32
    %add3A_729 = arith.addi %mul3A_0, %add3A_728 : i32
    %add3A_730 = vector.broadcast %add3A_729 : i32 to vector<16xi32>
    %add3A_731 = arith.addi %iota3A, %add3A_730 : vector<16xi32>
    %eq3A_732 = arith.cmpi eq, %get3A_725, %broadcast_in_dim3A_6 : vector<16xi32>
    %lt3A_733 = arith.cmpi slt, %get3A_725, %get3A_1 : vector<16xi32>
    %or3A_734 = arith.ori %eq3A_732, %lt3A_733 : vector<16xi1>
    %eq3A_735 = arith.cmpi eq, %get3A_725, %get3A_1 : vector<16xi32>
    %lt3A_736 = arith.cmpi slt, %add3A_731, %get3A_3 : vector<16xi32>
    %and3A_737 = arith.andi %eq3A_735, %lt3A_736 : vector<16xi1>
    %or3A_738 = arith.ori %or3A_734, %and3A_737 : vector<16xi1>
    %jit3A_739 = arith.constant 0.000000e+00 : f32
    %broadcast_in_dim3A_740 = vector.broadcast %jit3A_739 : f32 to vector<16xf32>
    %select_n3A_741 = arith.select %or3A_738, %get3A_727, %broadcast_in_dim3A_740 : vector<16xi1>, vector<16xf32>
    %add3A_742 = arith.addf %add3A_723, %select_n3A_741 : vector<16xf32>
    %get3A_743 = arith.constant 624 : index
    %get3A_744 = tpu.vector_load %arg6[%get3A_743] {strides = array<i32>} : memref<1024xi32, #tpu.memory_space<vmem>>, vector<16xi32>,
    %get3A_745 = arith.constant 624 : index
    %get3A_746 = tpu.vector_load %arg7[%get3A_745] {strides = array<i32>} : memref<1024xf32, #tpu.memory_space<vmem>>, vector<16xf32>,
    %add3A_747 = arith.constant 624 : i32
    %add3A_748 = arith.addi %mul3A_0, %add3A_747 : i32
    %add3A_749 = vector.broadcast %add3A_748 : i32 to vector<16xi32>
    %add3A_750 = arith.addi %iota3A, %add3A_749 : vector<16xi32>
    %eq3A_751 = arith.cmpi eq, %get3A_744, %broadcast_in_dim3A_6 : vector<16xi32>
    %lt3A_752 = arith.cmpi slt, %get3A_744, %get3A_1 : vector<16xi32>
    %or3A_753 = arith.ori %eq3A_751, %lt3A_752 : vector<16xi1>
    %eq3A_754 = arith.cmpi eq, %get3A_744, %get3A_1 : vector<16xi32>
    %lt3A_755 = arith.cmpi slt, %add3A_750, %get3A_3 : vector<16xi32>
    %and3A_756 = arith.andi %eq3A_754, %lt3A_755 : vector<16xi1>
    %or3A_757 = arith.ori %or3A_753, %and3A_756 : vector<16xi1>
    %jit3A_758 = arith.constant 0.000000e+00 : f32
    %broadcast_in_dim3A_759 = vector.broadcast %jit3A_758 : f32 to vector<16xf32>
    %select_n3A_760 = arith.select %or3A_757, %get3A_746, %broadcast_in_dim3A_759 : vector<16xi1>, vector<16xf32>
    %add3A_761 = arith.addf %add3A_742, %select_n3A_760 : vector<16xf32>
    %get3A_762 = arith.constant 640 : index
    %get3A_763 = tpu.vector_load %arg6[%get3A_762] {strides = array<i32>} : memref<1024xi32, #tpu.memory_space<vmem>>, vector<16xi32>,
    %get3A_764 = arith.constant 640 : index
    %get3A_765 = tpu.vector_load %arg7[%get3A_764] {strides = array<i32>} : memref<1024xf32, #tpu.memory_space<vmem>>, vector<16xf32>,
    %add3A_766 = arith.constant 640 : i32
    %add3A_767 = arith.addi %mul3A_0, %add3A_766 : i32
    %add3A_768 = vector.broadcast %add3A_767 : i32 to vector<16xi32>
    %add3A_769 = arith.addi %iota3A, %add3A_768 : vector<16xi32>
    %eq3A_770 = arith.cmpi eq, %get3A_763, %broadcast_in_dim3A_6 : vector<16xi32>
    %lt3A_771 = arith.cmpi slt, %get3A_763, %get3A_1 : vector<16xi32>
    %or3A_772 = arith.ori %eq3A_770, %lt3A_771 : vector<16xi1>
    %eq3A_773 = arith.cmpi eq, %get3A_763, %get3A_1 : vector<16xi32>
    %lt3A_774 = arith.cmpi slt, %add3A_769, %get3A_3 : vector<16xi32>
    %and3A_775 = arith.andi %eq3A_773, %lt3A_774 : vector<16xi1>
    %or3A_776 = arith.ori %or3A_772, %and3A_775 : vector<16xi1>
    %jit3A_777 = arith.constant 0.000000e+00 : f32
    %broadcast_in_dim3A_778 = vector.broadcast %jit3A_777 : f32 to vector<16xf32>
    %select_n3A_779 = arith.select %or3A_776, %get3A_765, %broadcast_in_dim3A_778 : vector<16xi1>, vector<16xf32>
    %add3A_780 = arith.addf %add3A_761, %select_n3A_779 : vector<16xf32>
    %get3A_781 = arith.constant 656 : index
    %get3A_782 = tpu.vector_load %arg6[%get3A_781] {strides = array<i32>} : memref<1024xi32, #tpu.memory_space<vmem>>, vector<16xi32>,
    %get3A_783 = arith.constant 656 : index
    %get3A_784 = tpu.vector_load %arg7[%get3A_783] {strides = array<i32>} : memref<1024xf32, #tpu.memory_space<vmem>>, vector<16xf32>,
    %add3A_785 = arith.constant 656 : i32
    %add3A_786 = arith.addi %mul3A_0, %add3A_785 : i32
    %add3A_787 = vector.broadcast %add3A_786 : i32 to vector<16xi32>
    %add3A_788 = arith.addi %iota3A, %add3A_787 : vector<16xi32>
    %eq3A_789 = arith.cmpi eq, %get3A_782, %broadcast_in_dim3A_6 : vector<16xi32>
    %lt3A_790 = arith.cmpi slt, %get3A_782, %get3A_1 : vector<16xi32>
    %or3A_791 = arith.ori %eq3A_789, %lt3A_790 : vector<16xi1>
    %eq3A_792 = arith.cmpi eq, %get3A_782, %get3A_1 : vector<16xi32>
    %lt3A_793 = arith.cmpi slt, %add3A_788, %get3A_3 : vector<16xi32>
    %and3A_794 = arith.andi %eq3A_792, %lt3A_793 : vector<16xi1>
    %or3A_795 = arith.ori %or3A_791, %and3A_794 : vector<16xi1>
    %jit3A_796 = arith.constant 0.000000e+00 : f32
    %broadcast_in_dim3A_797 = vector.broadcast %jit3A_796 : f32 to vector<16xf32>
    %select_n3A_798 = arith.select %or3A_795, %get3A_784, %broadcast_in_dim3A_797 : vector<16xi1>, vector<16xf32>
    %add3A_799 = arith.addf %add3A_780, %select_n3A_798 : vector<16xf32>
    %get3A_800 = arith.constant 672 : index
    %get3A_801 = tpu.vector_load %arg6[%get3A_800] {strides = array<i32>} : memref<1024xi32, #tpu.memory_space<vmem>>, vector<16xi32>,
    %get3A_802 = arith.constant 672 : index
    %get3A_803 = tpu.vector_load %arg7[%get3A_802] {strides = array<i32>} : memref<1024xf32, #tpu.memory_space<vmem>>, vector<16xf32>,
    %add3A_804 = arith.constant 672 : i32
    %add3A_805 = arith.addi %mul3A_0, %add3A_804 : i32
    %add3A_806 = vector.broadcast %add3A_805 : i32 to vector<16xi32>
    %add3A_807 = arith.addi %iota3A, %add3A_806 : vector<16xi32>
    %eq3A_808 = arith.cmpi eq, %get3A_801, %broadcast_in_dim3A_6 : vector<16xi32>
    %lt3A_809 = arith.cmpi slt, %get3A_801, %get3A_1 : vector<16xi32>
    %or3A_810 = arith.ori %eq3A_808, %lt3A_809 : vector<16xi1>
    %eq3A_811 = arith.cmpi eq, %get3A_801, %get3A_1 : vector<16xi32>
    %lt3A_812 = arith.cmpi slt, %add3A_807, %get3A_3 : vector<16xi32>
    %and3A_813 = arith.andi %eq3A_811, %lt3A_812 : vector<16xi1>
    %or3A_814 = arith.ori %or3A_810, %and3A_813 : vector<16xi1>
    %jit3A_815 = arith.constant 0.000000e+00 : f32
    %broadcast_in_dim3A_816 = vector.broadcast %jit3A_815 : f32 to vector<16xf32>
    %select_n3A_817 = arith.select %or3A_814, %get3A_803, %broadcast_in_dim3A_816 : vector<16xi1>, vector<16xf32>
    %add3A_818 = arith.addf %add3A_799, %select_n3A_817 : vector<16xf32>
    %get3A_819 = arith.constant 688 : index
    %get3A_820 = tpu.vector_load %arg6[%get3A_819] {strides = array<i32>} : memref<1024xi32, #tpu.memory_space<vmem>>, vector<16xi32>,
    %get3A_821 = arith.constant 688 : index
    %get3A_822 = tpu.vector_load %arg7[%get3A_821] {strides = array<i32>} : memref<1024xf32, #tpu.memory_space<vmem>>, vector<16xf32>,
    %add3A_823 = arith.constant 688 : i32
    %add3A_824 = arith.addi %mul3A_0, %add3A_823 : i32
    %add3A_825 = vector.broadcast %add3A_824 : i32 to vector<16xi32>
    %add3A_826 = arith.addi %iota3A, %add3A_825 : vector<16xi32>
    %eq3A_827 = arith.cmpi eq, %get3A_820, %broadcast_in_dim3A_6 : vector<16xi32>
    %lt3A_828 = arith.cmpi slt, %get3A_820, %get3A_1 : vector<16xi32>
    %or3A_829 = arith.ori %eq3A_827, %lt3A_828 : vector<16xi1>
    %eq3A_830 = arith.cmpi eq, %get3A_820, %get3A_1 : vector<16xi32>
    %lt3A_831 = arith.cmpi slt, %add3A_826, %get3A_3 : vector<16xi32>
    %and3A_832 = arith.andi %eq3A_830, %lt3A_831 : vector<16xi1>
    %or3A_833 = arith.ori %or3A_829, %and3A_832 : vector<16xi1>
    %jit3A_834 = arith.constant 0.000000e+00 : f32
    %broadcast_in_dim3A_835 = vector.broadcast %jit3A_834 : f32 to vector<16xf32>
    %select_n3A_836 = arith.select %or3A_833, %get3A_822, %broadcast_in_dim3A_835 : vector<16xi1>, vector<16xf32>
    %add3A_837 = arith.addf %add3A_818, %select_n3A_836 : vector<16xf32>
    %get3A_838 = arith.constant 704 : index
    %get3A_839 = tpu.vector_load %arg6[%get3A_838] {strides = array<i32>} : memref<1024xi32, #tpu.memory_space<vmem>>, vector<16xi32>,
    %get3A_840 = arith.constant 704 : index
    %get3A_841 = tpu.vector_load %arg7[%get3A_840] {strides = array<i32>} : memref<1024xf32, #tpu.memory_space<vmem>>, vector<16xf32>,
    %add3A_842 = arith.constant 704 : i32
    %add3A_843 = arith.addi %mul3A_0, %add3A_842 : i32
    %add3A_844 = vector.broadcast %add3A_843 : i32 to vector<16xi32>
    %add3A_845 = arith.addi %iota3A, %add3A_844 : vector<16xi32>
    %eq3A_846 = arith.cmpi eq, %get3A_839, %broadcast_in_dim3A_6 : vector<16xi32>
    %lt3A_847 = arith.cmpi slt, %get3A_839, %get3A_1 : vector<16xi32>
    %or3A_848 = arith.ori %eq3A_846, %lt3A_847 : vector<16xi1>
    %eq3A_849 = arith.cmpi eq, %get3A_839, %get3A_1 : vector<16xi32>
    %lt3A_850 = arith.cmpi slt, %add3A_845, %get3A_3 : vector<16xi32>
    %and3A_851 = arith.andi %eq3A_849, %lt3A_850 : vector<16xi1>
    %or3A_852 = arith.ori %or3A_848, %and3A_851 : vector<16xi1>
    %jit3A_853 = arith.constant 0.000000e+00 : f32
    %broadcast_in_dim3A_854 = vector.broadcast %jit3A_853 : f32 to vector<16xf32>
    %select_n3A_855 = arith.select %or3A_852, %get3A_841, %broadcast_in_dim3A_854 : vector<16xi1>, vector<16xf32>
    %add3A_856 = arith.addf %add3A_837, %select_n3A_855 : vector<16xf32>
    %get3A_857 = arith.constant 720 : index
    %get3A_858 = tpu.vector_load %arg6[%get3A_857] {strides = array<i32>} : memref<1024xi32, #tpu.memory_space<vmem>>, vector<16xi32>,
    %get3A_859 = arith.constant 720 : index
    %get3A_860 = tpu.vector_load %arg7[%get3A_859] {strides = array<i32>} : memref<1024xf32, #tpu.memory_space<vmem>>, vector<16xf32>,
    %add3A_861 = arith.constant 720 : i32
    %add3A_862 = arith.addi %mul3A_0, %add3A_861 : i32
    %add3A_863 = vector.broadcast %add3A_862 : i32 to vector<16xi32>
    %add3A_864 = arith.addi %iota3A, %add3A_863 : vector<16xi32>
    %eq3A_865 = arith.cmpi eq, %get3A_858, %broadcast_in_dim3A_6 : vector<16xi32>
    %lt3A_866 = arith.cmpi slt, %get3A_858, %get3A_1 : vector<16xi32>
    %or3A_867 = arith.ori %eq3A_865, %lt3A_866 : vector<16xi1>
    %eq3A_868 = arith.cmpi eq, %get3A_858, %get3A_1 : vector<16xi32>
    %lt3A_869 = arith.cmpi slt, %add3A_864, %get3A_3 : vector<16xi32>
    %and3A_870 = arith.andi %eq3A_868, %lt3A_869 : vector<16xi1>
    %or3A_871 = arith.ori %or3A_867, %and3A_870 : vector<16xi1>
    %jit3A_872 = arith.constant 0.000000e+00 : f32
    %broadcast_in_dim3A_873 = vector.broadcast %jit3A_872 : f32 to vector<16xf32>
    %select_n3A_874 = arith.select %or3A_871, %get3A_860, %broadcast_in_dim3A_873 : vector<16xi1>, vector<16xf32>
    %add3A_875 = arith.addf %add3A_856, %select_n3A_874 : vector<16xf32>
    %get3A_876 = arith.constant 736 : index
    %get3A_877 = tpu.vector_load %arg6[%get3A_876] {strides = array<i32>} : memref<1024xi32, #tpu.memory_space<vmem>>, vector<16xi32>,
    %get3A_878 = arith.constant 736 : index
    %get3A_879 = tpu.vector_load %arg7[%get3A_878] {strides = array<i32>} : memref<1024xf32, #tpu.memory_space<vmem>>, vector<16xf32>,
    %add3A_880 = arith.constant 736 : i32
    %add3A_881 = arith.addi %mul3A_0, %add3A_880 : i32
    %add3A_882 = vector.broadcast %add3A_881 : i32 to vector<16xi32>
    %add3A_883 = arith.addi %iota3A, %add3A_882 : vector<16xi32>
    %eq3A_884 = arith.cmpi eq, %get3A_877, %broadcast_in_dim3A_6 : vector<16xi32>
    %lt3A_885 = arith.cmpi slt, %get3A_877, %get3A_1 : vector<16xi32>
    %or3A_886 = arith.ori %eq3A_884, %lt3A_885 : vector<16xi1>
    %eq3A_887 = arith.cmpi eq, %get3A_877, %get3A_1 : vector<16xi32>
    %lt3A_888 = arith.cmpi slt, %add3A_883, %get3A_3 : vector<16xi32>
    %and3A_889 = arith.andi %eq3A_887, %lt3A_888 : vector<16xi1>
    %or3A_890 = arith.ori %or3A_886, %and3A_889 : vector<16xi1>
    %jit3A_891 = arith.constant 0.000000e+00 : f32
    %broadcast_in_dim3A_892 = vector.broadcast %jit3A_891 : f32 to vector<16xf32>
    %select_n3A_893 = arith.select %or3A_890, %get3A_879, %broadcast_in_dim3A_892 : vector<16xi1>, vector<16xf32>
    %add3A_894 = arith.addf %add3A_875, %select_n3A_893 : vector<16xf32>
    %get3A_895 = arith.constant 752 : index
    %get3A_896 = tpu.vector_load %arg6[%get3A_895] {strides = array<i32>} : memref<1024xi32, #tpu.memory_space<vmem>>, vector<16xi32>,
    %get3A_897 = arith.constant 752 : index
    %get3A_898 = tpu.vector_load %arg7[%get3A_897] {strides = array<i32>} : memref<1024xf32, #tpu.memory_space<vmem>>, vector<16xf32>,
    %add3A_899 = arith.constant 752 : i32
    %add3A_900 = arith.addi %mul3A_0, %add3A_899 : i32
    %add3A_901 = vector.broadcast %add3A_900 : i32 to vector<16xi32>
    %add3A_902 = arith.addi %iota3A, %add3A_901 : vector<16xi32>
    %eq3A_903 = arith.cmpi eq, %get3A_896, %broadcast_in_dim3A_6 : vector<16xi32>
    %lt3A_904 = arith.cmpi slt, %get3A_896, %get3A_1 : vector<16xi32>
    %or3A_905 = arith.ori %eq3A_903, %lt3A_904 : vector<16xi1>
    %eq3A_906 = arith.cmpi eq, %get3A_896, %get3A_1 : vector<16xi32>
    %lt3A_907 = arith.cmpi slt, %add3A_902, %get3A_3 : vector<16xi32>
    %and3A_908 = arith.andi %eq3A_906, %lt3A_907 : vector<16xi1>
    %or3A_909 = arith.ori %or3A_905, %and3A_908 : vector<16xi1>
    %jit3A_910 = arith.constant 0.000000e+00 : f32
    %broadcast_in_dim3A_911 = vector.broadcast %jit3A_910 : f32 to vector<16xf32>
    %select_n3A_912 = arith.select %or3A_909, %get3A_898, %broadcast_in_dim3A_911 : vector<16xi1>, vector<16xf32>
    %add3A_913 = arith.addf %add3A_894, %select_n3A_912 : vector<16xf32>
    %get3A_914 = arith.constant 768 : index
    %get3A_915 = tpu.vector_load %arg6[%get3A_914] {strides = array<i32>} : memref<1024xi32, #tpu.memory_space<vmem>>, vector<16xi32>,
    %get3A_916 = arith.constant 768 : index
    %get3A_917 = tpu.vector_load %arg7[%get3A_916] {strides = array<i32>} : memref<1024xf32, #tpu.memory_space<vmem>>, vector<16xf32>,
    %add3A_918 = arith.constant 768 : i32
    %add3A_919 = arith.addi %mul3A_0, %add3A_918 : i32
    %add3A_920 = vector.broadcast %add3A_919 : i32 to vector<16xi32>
    %add3A_921 = arith.addi %iota3A, %add3A_920 : vector<16xi32>
    %eq3A_922 = arith.cmpi eq, %get3A_915, %broadcast_in_dim3A_6 : vector<16xi32>
    %lt3A_923 = arith.cmpi slt, %get3A_915, %get3A_1 : vector<16xi32>
    %or3A_924 = arith.ori %eq3A_922, %lt3A_923 : vector<16xi1>
    %eq3A_925 = arith.cmpi eq, %get3A_915, %get3A_1 : vector<16xi32>
    %lt3A_926 = arith.cmpi slt, %add3A_921, %get3A_3 : vector<16xi32>
    %and3A_927 = arith.andi %eq3A_925, %lt3A_926 : vector<16xi1>
    %or3A_928 = arith.ori %or3A_924, %and3A_927 : vector<16xi1>
    %jit3A_929 = arith.constant 0.000000e+00 : f32
    %broadcast_in_dim3A_930 = vector.broadcast %jit3A_929 : f32 to vector<16xf32>
    %select_n3A_931 = arith.select %or3A_928, %get3A_917, %broadcast_in_dim3A_930 : vector<16xi1>, vector<16xf32>
    %add3A_932 = arith.addf %add3A_913, %select_n3A_931 : vector<16xf32>
    %get3A_933 = arith.constant 784 : index
    %get3A_934 = tpu.vector_load %arg6[%get3A_933] {strides = array<i32>} : memref<1024xi32, #tpu.memory_space<vmem>>, vector<16xi32>,
    %get3A_935 = arith.constant 784 : index
    %get3A_936 = tpu.vector_load %arg7[%get3A_935] {strides = array<i32>} : memref<1024xf32, #tpu.memory_space<vmem>>, vector<16xf32>,
    %add3A_937 = arith.constant 784 : i32
    %add3A_938 = arith.addi %mul3A_0, %add3A_937 : i32
    %add3A_939 = vector.broadcast %add3A_938 : i32 to vector<16xi32>
    %add3A_940 = arith.addi %iota3A, %add3A_939 : vector<16xi32>
    %eq3A_941 = arith.cmpi eq, %get3A_934, %broadcast_in_dim3A_6 : vector<16xi32>
    %lt3A_942 = arith.cmpi slt, %get3A_934, %get3A_1 : vector<16xi32>
    %or3A_943 = arith.ori %eq3A_941, %lt3A_942 : vector<16xi1>
    %eq3A_944 = arith.cmpi eq, %get3A_934, %get3A_1 : vector<16xi32>
    %lt3A_945 = arith.cmpi slt, %add3A_940, %get3A_3 : vector<16xi32>
    %and3A_946 = arith.andi %eq3A_944, %lt3A_945 : vector<16xi1>
    %or3A_947 = arith.ori %or3A_943, %and3A_946 : vector<16xi1>
    %jit3A_948 = arith.constant 0.000000e+00 : f32
    %broadcast_in_dim3A_949 = vector.broadcast %jit3A_948 : f32 to vector<16xf32>
    %select_n3A_950 = arith.select %or3A_947, %get3A_936, %broadcast_in_dim3A_949 : vector<16xi1>, vector<16xf32>
    %add3A_951 = arith.addf %add3A_932, %select_n3A_950 : vector<16xf32>
    %get3A_952 = arith.constant 800 : index
    %get3A_953 = tpu.vector_load %arg6[%get3A_952] {strides = array<i32>} : memref<1024xi32, #tpu.memory_space<vmem>>, vector<16xi32>,
    %get3A_954 = arith.constant 800 : index
    %get3A_955 = tpu.vector_load %arg7[%get3A_954] {strides = array<i32>} : memref<1024xf32, #tpu.memory_space<vmem>>, vector<16xf32>,
    %add3A_956 = arith.constant 800 : i32
    %add3A_957 = arith.addi %mul3A_0, %add3A_956 : i32
    %add3A_958 = vector.broadcast %add3A_957 : i32 to vector<16xi32>
    %add3A_959 = arith.addi %iota3A, %add3A_958 : vector<16xi32>
    %eq3A_960 = arith.cmpi eq, %get3A_953, %broadcast_in_dim3A_6 : vector<16xi32>
    %lt3A_961 = arith.cmpi slt, %get3A_953, %get3A_1 : vector<16xi32>
    %or3A_962 = arith.ori %eq3A_960, %lt3A_961 : vector<16xi1>
    %eq3A_963 = arith.cmpi eq, %get3A_953, %get3A_1 : vector<16xi32>
    %lt3A_964 = arith.cmpi slt, %add3A_959, %get3A_3 : vector<16xi32>
    %and3A_965 = arith.andi %eq3A_963, %lt3A_964 : vector<16xi1>
    %or3A_966 = arith.ori %or3A_962, %and3A_965 : vector<16xi1>
    %jit3A_967 = arith.constant 0.000000e+00 : f32
    %broadcast_in_dim3A_968 = vector.broadcast %jit3A_967 : f32 to vector<16xf32>
    %select_n3A_969 = arith.select %or3A_966, %get3A_955, %broadcast_in_dim3A_968 : vector<16xi1>, vector<16xf32>
    %add3A_970 = arith.addf %add3A_951, %select_n3A_969 : vector<16xf32>
    %get3A_971 = arith.constant 816 : index
    %get3A_972 = tpu.vector_load %arg6[%get3A_971] {strides = array<i32>} : memref<1024xi32, #tpu.memory_space<vmem>>, vector<16xi32>,
    %get3A_973 = arith.constant 816 : index
    %get3A_974 = tpu.vector_load %arg7[%get3A_973] {strides = array<i32>} : memref<1024xf32, #tpu.memory_space<vmem>>, vector<16xf32>,
    %add3A_975 = arith.constant 816 : i32
    %add3A_976 = arith.addi %mul3A_0, %add3A_975 : i32
    %add3A_977 = vector.broadcast %add3A_976 : i32 to vector<16xi32>
    %add3A_978 = arith.addi %iota3A, %add3A_977 : vector<16xi32>
    %eq3A_979 = arith.cmpi eq, %get3A_972, %broadcast_in_dim3A_6 : vector<16xi32>
    %lt3A_980 = arith.cmpi slt, %get3A_972, %get3A_1 : vector<16xi32>
    %or3A_981 = arith.ori %eq3A_979, %lt3A_980 : vector<16xi1>
    %eq3A_982 = arith.cmpi eq, %get3A_972, %get3A_1 : vector<16xi32>
    %lt3A_983 = arith.cmpi slt, %add3A_978, %get3A_3 : vector<16xi32>
    %and3A_984 = arith.andi %eq3A_982, %lt3A_983 : vector<16xi1>
    %or3A_985 = arith.ori %or3A_981, %and3A_984 : vector<16xi1>
    %jit3A_986 = arith.constant 0.000000e+00 : f32
    %broadcast_in_dim3A_987 = vector.broadcast %jit3A_986 : f32 to vector<16xf32>
    %select_n3A_988 = arith.select %or3A_985, %get3A_974, %broadcast_in_dim3A_987 : vector<16xi1>, vector<16xf32>
    %add3A_989 = arith.addf %add3A_970, %select_n3A_988 : vector<16xf32>
    %get3A_990 = arith.constant 832 : index
    %get3A_991 = tpu.vector_load %arg6[%get3A_990] {strides = array<i32>} : memref<1024xi32, #tpu.memory_space<vmem>>, vector<16xi32>,
    %get3A_992 = arith.constant 832 : index
    %get3A_993 = tpu.vector_load %arg7[%get3A_992] {strides = array<i32>} : memref<1024xf32, #tpu.memory_space<vmem>>, vector<16xf32>,
    %add3A_994 = arith.constant 832 : i32
    %add3A_995 = arith.addi %mul3A_0, %add3A_994 : i32
    %add3A_996 = vector.broadcast %add3A_995 : i32 to vector<16xi32>
    %add3A_997 = arith.addi %iota3A, %add3A_996 : vector<16xi32>
    %eq3A_998 = arith.cmpi eq, %get3A_991, %broadcast_in_dim3A_6 : vector<16xi32>
    %lt3A_999 = arith.cmpi slt, %get3A_991, %get3A_1 : vector<16xi32>
    %or3A_1000 = arith.ori %eq3A_998, %lt3A_999 : vector<16xi1>
    %eq3A_1001 = arith.cmpi eq, %get3A_991, %get3A_1 : vector<16xi32>
    %lt3A_1002 = arith.cmpi slt, %add3A_997, %get3A_3 : vector<16xi32>
    %and3A_1003 = arith.andi %eq3A_1001, %lt3A_1002 : vector<16xi1>
    %or3A_1004 = arith.ori %or3A_1000, %and3A_1003 : vector<16xi1>
    %jit3A_1005 = arith.constant 0.000000e+00 : f32
    %broadcast_in_dim3A_1006 = vector.broadcast %jit3A_1005 : f32 to vector<16xf32>
    %select_n3A_1007 = arith.select %or3A_1004, %get3A_993, %broadcast_in_dim3A_1006 : vector<16xi1>, vector<16xf32>
    %add3A_1008 = arith.addf %add3A_989, %select_n3A_1007 : vector<16xf32>
    %get3A_1009 = arith.constant 848 : index
    %get3A_1010 = tpu.vector_load %arg6[%get3A_1009] {strides = array<i32>} : memref<1024xi32, #tpu.memory_space<vmem>>, vector<16xi32>,
    %get3A_1011 = arith.constant 848 : index
    %get3A_1012 = tpu.vector_load %arg7[%get3A_1011] {strides = array<i32>} : memref<1024xf32, #tpu.memory_space<vmem>>, vector<16xf32>,
    %add3A_1013 = arith.constant 848 : i32
    %add3A_1014 = arith.addi %mul3A_0, %add3A_1013 : i32
    %add3A_1015 = vector.broadcast %add3A_1014 : i32 to vector<16xi32>
    %add3A_1016 = arith.addi %iota3A, %add3A_1015 : vector<16xi32>
    %eq3A_1017 = arith.cmpi eq, %get3A_1010, %broadcast_in_dim3A_6 : vector<16xi32>
    %lt3A_1018 = arith.cmpi slt, %get3A_1010, %get3A_1 : vector<16xi32>
    %or3A_1019 = arith.ori %eq3A_1017, %lt3A_1018 : vector<16xi1>
    %eq3A_1020 = arith.cmpi eq, %get3A_1010, %get3A_1 : vector<16xi32>
    %lt3A_1021 = arith.cmpi slt, %add3A_1016, %get3A_3 : vector<16xi32>
    %and3A_1022 = arith.andi %eq3A_1020, %lt3A_1021 : vector<16xi1>
    %or3A_1023 = arith.ori %or3A_1019, %and3A_1022 : vector<16xi1>
    %jit3A_1024 = arith.constant 0.000000e+00 : f32
    %broadcast_in_dim3A_1025 = vector.broadcast %jit3A_1024 : f32 to vector<16xf32>
    %select_n3A_1026 = arith.select %or3A_1023, %get3A_1012, %broadcast_in_dim3A_1025 : vector<16xi1>, vector<16xf32>
    %add3A_1027 = arith.addf %add3A_1008, %select_n3A_1026 : vector<16xf32>
    %get3A_1028 = arith.constant 864 : index
    %get3A_1029 = tpu.vector_load %arg6[%get3A_1028] {strides = array<i32>} : memref<1024xi32, #tpu.memory_space<vmem>>, vector<16xi32>,
    %get3A_1030 = arith.constant 864 : index
    %get3A_1031 = tpu.vector_load %arg7[%get3A_1030] {strides = array<i32>} : memref<1024xf32, #tpu.memory_space<vmem>>, vector<16xf32>,
    %add3A_1032 = arith.constant 864 : i32
    %add3A_1033 = arith.addi %mul3A_0, %add3A_1032 : i32
    %add3A_1034 = vector.broadcast %add3A_1033 : i32 to vector<16xi32>
    %add3A_1035 = arith.addi %iota3A, %add3A_1034 : vector<16xi32>
    %eq3A_1036 = arith.cmpi eq, %get3A_1029, %broadcast_in_dim3A_6 : vector<16xi32>
    %lt3A_1037 = arith.cmpi slt, %get3A_1029, %get3A_1 : vector<16xi32>
    %or3A_1038 = arith.ori %eq3A_1036, %lt3A_1037 : vector<16xi1>
    %eq3A_1039 = arith.cmpi eq, %get3A_1029, %get3A_1 : vector<16xi32>
    %lt3A_1040 = arith.cmpi slt, %add3A_1035, %get3A_3 : vector<16xi32>
    %and3A_1041 = arith.andi %eq3A_1039, %lt3A_1040 : vector<16xi1>
    %or3A_1042 = arith.ori %or3A_1038, %and3A_1041 : vector<16xi1>
    %jit3A_1043 = arith.constant 0.000000e+00 : f32
    %broadcast_in_dim3A_1044 = vector.broadcast %jit3A_1043 : f32 to vector<16xf32>
    %select_n3A_1045 = arith.select %or3A_1042, %get3A_1031, %broadcast_in_dim3A_1044 : vector<16xi1>, vector<16xf32>
    %add3A_1046 = arith.addf %add3A_1027, %select_n3A_1045 : vector<16xf32>
    %get3A_1047 = arith.constant 880 : index
    %get3A_1048 = tpu.vector_load %arg6[%get3A_1047] {strides = array<i32>} : memref<1024xi32, #tpu.memory_space<vmem>>, vector<16xi32>,
    %get3A_1049 = arith.constant 880 : index
    %get3A_1050 = tpu.vector_load %arg7[%get3A_1049] {strides = array<i32>} : memref<1024xf32, #tpu.memory_space<vmem>>, vector<16xf32>,
    %add3A_1051 = arith.constant 880 : i32
    %add3A_1052 = arith.addi %mul3A_0, %add3A_1051 : i32
    %add3A_1053 = vector.broadcast %add3A_1052 : i32 to vector<16xi32>
    %add3A_1054 = arith.addi %iota3A, %add3A_1053 : vector<16xi32>
    %eq3A_1055 = arith.cmpi eq, %get3A_1048, %broadcast_in_dim3A_6 : vector<16xi32>
    %lt3A_1056 = arith.cmpi slt, %get3A_1048, %get3A_1 : vector<16xi32>
    %or3A_1057 = arith.ori %eq3A_1055, %lt3A_1056 : vector<16xi1>
    %eq3A_1058 = arith.cmpi eq, %get3A_1048, %get3A_1 : vector<16xi32>
    %lt3A_1059 = arith.cmpi slt, %add3A_1054, %get3A_3 : vector<16xi32>
    %and3A_1060 = arith.andi %eq3A_1058, %lt3A_1059 : vector<16xi1>
    %or3A_1061 = arith.ori %or3A_1057, %and3A_1060 : vector<16xi1>
    %jit3A_1062 = arith.constant 0.000000e+00 : f32
    %broadcast_in_dim3A_1063 = vector.broadcast %jit3A_1062 : f32 to vector<16xf32>
    %select_n3A_1064 = arith.select %or3A_1061, %get3A_1050, %broadcast_in_dim3A_1063 : vector<16xi1>, vector<16xf32>
    %add3A_1065 = arith.addf %add3A_1046, %select_n3A_1064 : vector<16xf32>
    %get3A_1066 = arith.constant 896 : index
    %get3A_1067 = tpu.vector_load %arg6[%get3A_1066] {strides = array<i32>} : memref<1024xi32, #tpu.memory_space<vmem>>, vector<16xi32>,
    %get3A_1068 = arith.constant 896 : index
    %get3A_1069 = tpu.vector_load %arg7[%get3A_1068] {strides = array<i32>} : memref<1024xf32, #tpu.memory_space<vmem>>, vector<16xf32>,
    %add3A_1070 = arith.constant 896 : i32
    %add3A_1071 = arith.addi %mul3A_0, %add3A_1070 : i32
    %add3A_1072 = vector.broadcast %add3A_1071 : i32 to vector<16xi32>
    %add3A_1073 = arith.addi %iota3A, %add3A_1072 : vector<16xi32>
    %eq3A_1074 = arith.cmpi eq, %get3A_1067, %broadcast_in_dim3A_6 : vector<16xi32>
    %lt3A_1075 = arith.cmpi slt, %get3A_1067, %get3A_1 : vector<16xi32>
    %or3A_1076 = arith.ori %eq3A_1074, %lt3A_1075 : vector<16xi1>
    %eq3A_1077 = arith.cmpi eq, %get3A_1067, %get3A_1 : vector<16xi32>
    %lt3A_1078 = arith.cmpi slt, %add3A_1073, %get3A_3 : vector<16xi32>
    %and3A_1079 = arith.andi %eq3A_1077, %lt3A_1078 : vector<16xi1>
    %or3A_1080 = arith.ori %or3A_1076, %and3A_1079 : vector<16xi1>
    %jit3A_1081 = arith.constant 0.000000e+00 : f32
    %broadcast_in_dim3A_1082 = vector.broadcast %jit3A_1081 : f32 to vector<16xf32>
    %select_n3A_1083 = arith.select %or3A_1080, %get3A_1069, %broadcast_in_dim3A_1082 : vector<16xi1>, vector<16xf32>
    %add3A_1084 = arith.addf %add3A_1065, %select_n3A_1083 : vector<16xf32>
    %get3A_1085 = arith.constant 912 : index
    %get3A_1086 = tpu.vector_load %arg6[%get3A_1085] {strides = array<i32>} : memref<1024xi32, #tpu.memory_space<vmem>>, vector<16xi32>,
    %get3A_1087 = arith.constant 912 : index
    %get3A_1088 = tpu.vector_load %arg7[%get3A_1087] {strides = array<i32>} : memref<1024xf32, #tpu.memory_space<vmem>>, vector<16xf32>,
    %add3A_1089 = arith.constant 912 : i32
    %add3A_1090 = arith.addi %mul3A_0, %add3A_1089 : i32
    %add3A_1091 = vector.broadcast %add3A_1090 : i32 to vector<16xi32>
    %add3A_1092 = arith.addi %iota3A, %add3A_1091 : vector<16xi32>
    %eq3A_1093 = arith.cmpi eq, %get3A_1086, %broadcast_in_dim3A_6 : vector<16xi32>
    %lt3A_1094 = arith.cmpi slt, %get3A_1086, %get3A_1 : vector<16xi32>
    %or3A_1095 = arith.ori %eq3A_1093, %lt3A_1094 : vector<16xi1>
    %eq3A_1096 = arith.cmpi eq, %get3A_1086, %get3A_1 : vector<16xi32>
    %lt3A_1097 = arith.cmpi slt, %add3A_1092, %get3A_3 : vector<16xi32>
    %and3A_1098 = arith.andi %eq3A_1096, %lt3A_1097 : vector<16xi1>
    %or3A_1099 = arith.ori %or3A_1095, %and3A_1098 : vector<16xi1>
    %jit3A_1100 = arith.constant 0.000000e+00 : f32
    %broadcast_in_dim3A_1101 = vector.broadcast %jit3A_1100 : f32 to vector<16xf32>
    %select_n3A_1102 = arith.select %or3A_1099, %get3A_1088, %broadcast_in_dim3A_1101 : vector<16xi1>, vector<16xf32>
    %add3A_1103 = arith.addf %add3A_1084, %select_n3A_1102 : vector<16xf32>
    %get3A_1104 = arith.constant 928 : index
    %get3A_1105 = tpu.vector_load %arg6[%get3A_1104] {strides = array<i32>} : memref<1024xi32, #tpu.memory_space<vmem>>, vector<16xi32>,
    %get3A_1106 = arith.constant 928 : index
    %get3A_1107 = tpu.vector_load %arg7[%get3A_1106] {strides = array<i32>} : memref<1024xf32, #tpu.memory_space<vmem>>, vector<16xf32>,
    %add3A_1108 = arith.constant 928 : i32
    %add3A_1109 = arith.addi %mul3A_0, %add3A_1108 : i32
    %add3A_1110 = vector.broadcast %add3A_1109 : i32 to vector<16xi32>
    %add3A_1111 = arith.addi %iota3A, %add3A_1110 : vector<16xi32>
    %eq3A_1112 = arith.cmpi eq, %get3A_1105, %broadcast_in_dim3A_6 : vector<16xi32>
    %lt3A_1113 = arith.cmpi slt, %get3A_1105, %get3A_1 : vector<16xi32>
    %or3A_1114 = arith.ori %eq3A_1112, %lt3A_1113 : vector<16xi1>
    %eq3A_1115 = arith.cmpi eq, %get3A_1105, %get3A_1 : vector<16xi32>
    %lt3A_1116 = arith.cmpi slt, %add3A_1111, %get3A_3 : vector<16xi32>
    %and3A_1117 = arith.andi %eq3A_1115, %lt3A_1116 : vector<16xi1>
    %or3A_1118 = arith.ori %or3A_1114, %and3A_1117 : vector<16xi1>
    %jit3A_1119 = arith.constant 0.000000e+00 : f32
    %broadcast_in_dim3A_1120 = vector.broadcast %jit3A_1119 : f32 to vector<16xf32>
    %select_n3A_1121 = arith.select %or3A_1118, %get3A_1107, %broadcast_in_dim3A_1120 : vector<16xi1>, vector<16xf32>
    %add3A_1122 = arith.addf %add3A_1103, %select_n3A_1121 : vector<16xf32>
    %get3A_1123 = arith.constant 944 : index
    %get3A_1124 = tpu.vector_load %arg6[%get3A_1123] {strides = array<i32>} : memref<1024xi32, #tpu.memory_space<vmem>>, vector<16xi32>,
    %get3A_1125 = arith.constant 944 : index
    %get3A_1126 = tpu.vector_load %arg7[%get3A_1125] {strides = array<i32>} : memref<1024xf32, #tpu.memory_space<vmem>>, vector<16xf32>,
    %add3A_1127 = arith.constant 944 : i32
    %add3A_1128 = arith.addi %mul3A_0, %add3A_1127 : i32
    %add3A_1129 = vector.broadcast %add3A_1128 : i32 to vector<16xi32>
    %add3A_1130 = arith.addi %iota3A, %add3A_1129 : vector<16xi32>
    %eq3A_1131 = arith.cmpi eq, %get3A_1124, %broadcast_in_dim3A_6 : vector<16xi32>
    %lt3A_1132 = arith.cmpi slt, %get3A_1124, %get3A_1 : vector<16xi32>
    %or3A_1133 = arith.ori %eq3A_1131, %lt3A_1132 : vector<16xi1>
    %eq3A_1134 = arith.cmpi eq, %get3A_1124, %get3A_1 : vector<16xi32>
    %lt3A_1135 = arith.cmpi slt, %add3A_1130, %get3A_3 : vector<16xi32>
    %and3A_1136 = arith.andi %eq3A_1134, %lt3A_1135 : vector<16xi1>
    %or3A_1137 = arith.ori %or3A_1133, %and3A_1136 : vector<16xi1>
    %jit3A_1138 = arith.constant 0.000000e+00 : f32
    %broadcast_in_dim3A_1139 = vector.broadcast %jit3A_1138 : f32 to vector<16xf32>
    %select_n3A_1140 = arith.select %or3A_1137, %get3A_1126, %broadcast_in_dim3A_1139 : vector<16xi1>, vector<16xf32>
    %add3A_1141 = arith.addf %add3A_1122, %select_n3A_1140 : vector<16xf32>
    %get3A_1142 = arith.constant 960 : index
    %get3A_1143 = tpu.vector_load %arg6[%get3A_1142] {strides = array<i32>} : memref<1024xi32, #tpu.memory_space<vmem>>, vector<16xi32>,
    %get3A_1144 = arith.constant 960 : index
    %get3A_1145 = tpu.vector_load %arg7[%get3A_1144] {strides = array<i32>} : memref<1024xf32, #tpu.memory_space<vmem>>, vector<16xf32>,
    %add3A_1146 = arith.constant 960 : i32
    %add3A_1147 = arith.addi %mul3A_0, %add3A_1146 : i32
    %add3A_1148 = vector.broadcast %add3A_1147 : i32 to vector<16xi32>
    %add3A_1149 = arith.addi %iota3A, %add3A_1148 : vector<16xi32>
    %eq3A_1150 = arith.cmpi eq, %get3A_1143, %broadcast_in_dim3A_6 : vector<16xi32>
    %lt3A_1151 = arith.cmpi slt, %get3A_1143, %get3A_1 : vector<16xi32>
    %or3A_1152 = arith.ori %eq3A_1150, %lt3A_1151 : vector<16xi1>
    %eq3A_1153 = arith.cmpi eq, %get3A_1143, %get3A_1 : vector<16xi32>
    %lt3A_1154 = arith.cmpi slt, %add3A_1149, %get3A_3 : vector<16xi32>
    %and3A_1155 = arith.andi %eq3A_1153, %lt3A_1154 : vector<16xi1>
    %or3A_1156 = arith.ori %or3A_1152, %and3A_1155 : vector<16xi1>
    %jit3A_1157 = arith.constant 0.000000e+00 : f32
    %broadcast_in_dim3A_1158 = vector.broadcast %jit3A_1157 : f32 to vector<16xf32>
    %select_n3A_1159 = arith.select %or3A_1156, %get3A_1145, %broadcast_in_dim3A_1158 : vector<16xi1>, vector<16xf32>
    %add3A_1160 = arith.addf %add3A_1141, %select_n3A_1159 : vector<16xf32>
    %get3A_1161 = arith.constant 976 : index
    %get3A_1162 = tpu.vector_load %arg6[%get3A_1161] {strides = array<i32>} : memref<1024xi32, #tpu.memory_space<vmem>>, vector<16xi32>,
    %get3A_1163 = arith.constant 976 : index
    %get3A_1164 = tpu.vector_load %arg7[%get3A_1163] {strides = array<i32>} : memref<1024xf32, #tpu.memory_space<vmem>>, vector<16xf32>,
    %add3A_1165 = arith.constant 976 : i32
    %add3A_1166 = arith.addi %mul3A_0, %add3A_1165 : i32
    %add3A_1167 = vector.broadcast %add3A_1166 : i32 to vector<16xi32>
    %add3A_1168 = arith.addi %iota3A, %add3A_1167 : vector<16xi32>
    %eq3A_1169 = arith.cmpi eq, %get3A_1162, %broadcast_in_dim3A_6 : vector<16xi32>
    %lt3A_1170 = arith.cmpi slt, %get3A_1162, %get3A_1 : vector<16xi32>
    %or3A_1171 = arith.ori %eq3A_1169, %lt3A_1170 : vector<16xi1>
    %eq3A_1172 = arith.cmpi eq, %get3A_1162, %get3A_1 : vector<16xi32>
    %lt3A_1173 = arith.cmpi slt, %add3A_1168, %get3A_3 : vector<16xi32>
    %and3A_1174 = arith.andi %eq3A_1172, %lt3A_1173 : vector<16xi1>
    %or3A_1175 = arith.ori %or3A_1171, %and3A_1174 : vector<16xi1>
    %jit3A_1176 = arith.constant 0.000000e+00 : f32
    %broadcast_in_dim3A_1177 = vector.broadcast %jit3A_1176 : f32 to vector<16xf32>
    %select_n3A_1178 = arith.select %or3A_1175, %get3A_1164, %broadcast_in_dim3A_1177 : vector<16xi1>, vector<16xf32>
    %add3A_1179 = arith.addf %add3A_1160, %select_n3A_1178 : vector<16xf32>
    %get3A_1180 = arith.constant 992 : index
    %get3A_1181 = tpu.vector_load %arg6[%get3A_1180] {strides = array<i32>} : memref<1024xi32, #tpu.memory_space<vmem>>, vector<16xi32>,
    %get3A_1182 = arith.constant 992 : index
    %get3A_1183 = tpu.vector_load %arg7[%get3A_1182] {strides = array<i32>} : memref<1024xf32, #tpu.memory_space<vmem>>, vector<16xf32>,
    %add3A_1184 = arith.constant 992 : i32
    %add3A_1185 = arith.addi %mul3A_0, %add3A_1184 : i32
    %add3A_1186 = vector.broadcast %add3A_1185 : i32 to vector<16xi32>
    %add3A_1187 = arith.addi %iota3A, %add3A_1186 : vector<16xi32>
    %eq3A_1188 = arith.cmpi eq, %get3A_1181, %broadcast_in_dim3A_6 : vector<16xi32>
    %lt3A_1189 = arith.cmpi slt, %get3A_1181, %get3A_1 : vector<16xi32>
    %or3A_1190 = arith.ori %eq3A_1188, %lt3A_1189 : vector<16xi1>
    %eq3A_1191 = arith.cmpi eq, %get3A_1181, %get3A_1 : vector<16xi32>
    %lt3A_1192 = arith.cmpi slt, %add3A_1187, %get3A_3 : vector<16xi32>
    %and3A_1193 = arith.andi %eq3A_1191, %lt3A_1192 : vector<16xi1>
    %or3A_1194 = arith.ori %or3A_1190, %and3A_1193 : vector<16xi1>
    %jit3A_1195 = arith.constant 0.000000e+00 : f32
    %broadcast_in_dim3A_1196 = vector.broadcast %jit3A_1195 : f32 to vector<16xf32>
    %select_n3A_1197 = arith.select %or3A_1194, %get3A_1183, %broadcast_in_dim3A_1196 : vector<16xi1>, vector<16xf32>
    %add3A_1198 = arith.addf %add3A_1179, %select_n3A_1197 : vector<16xf32>
    %get3A_1199 = arith.constant 1008 : index
    %get3A_1200 = tpu.vector_load %arg6[%get3A_1199] {strides = array<i32>} : memref<1024xi32, #tpu.memory_space<vmem>>, vector<16xi32>,
    %get3A_1201 = arith.constant 1008 : index
    %get3A_1202 = tpu.vector_load %arg7[%get3A_1201] {strides = array<i32>} : memref<1024xf32, #tpu.memory_space<vmem>>, vector<16xf32>,
    %add3A_1203 = arith.constant 1008 : i32
    %add3A_1204 = arith.addi %mul3A_0, %add3A_1203 : i32
    %add3A_1205 = vector.broadcast %add3A_1204 : i32 to vector<16xi32>
    %add3A_1206 = arith.addi %iota3A, %add3A_1205 : vector<16xi32>
    %eq3A_1207 = arith.cmpi eq, %get3A_1200, %broadcast_in_dim3A_6 : vector<16xi32>
    %lt3A_1208 = arith.cmpi slt, %get3A_1200, %get3A_1 : vector<16xi32>
    %or3A_1209 = arith.ori %eq3A_1207, %lt3A_1208 : vector<16xi1>
    %eq3A_1210 = arith.cmpi eq, %get3A_1200, %get3A_1 : vector<16xi32>
    %lt3A_1211 = arith.cmpi slt, %add3A_1206, %get3A_3 : vector<16xi32>
    %and3A_1212 = arith.andi %eq3A_1210, %lt3A_1211 : vector<16xi1>
    %or3A_1213 = arith.ori %or3A_1209, %and3A_1212 : vector<16xi1>
    %jit3A_1214 = arith.constant 0.000000e+00 : f32
    %broadcast_in_dim3A_1215 = vector.broadcast %jit3A_1214 : f32 to vector<16xf32>
    %select_n3A_1216 = arith.select %or3A_1213, %get3A_1202, %broadcast_in_dim3A_1215 : vector<16xi1>, vector<16xf32>
    %add3A_1217 = arith.addf %add3A_1198, %select_n3A_1216 : vector<16xf32>
    %swap3A = arith.constant 0 : index
    %swap3A_1218 = tpu.vector_load %arg9[%swap3A] {strides = array<i32>} : memref<16xf32, #tpu.memory_space<vmem>>, vector<16xf32>,
    tpu.vector_store %arg9[%swap3A], %add3A_1217 {strides = array<i32>} : memref<16xf32, #tpu.memory_space<vmem>>, vector<16xf32>,
    %mul3A_1219 = arith.constant 16 : i32
    %mul3A_1220 = arith.muli %arg1, %mul3A_1219 : i32
    "tpu.region"() ({
      %run_scoped3A = tpu.sem_alloc : memref<!tpu.dma_semaphore, #tpu.memory_space<semaphore_mem>>
      %dma_start3A = tpu.memref_slice %arg11[%mul3A_1220] : memref<256xf32, #tpu.memory_space<vmem_shared>> -> memref<16xf32, #tpu.memory_space<vmem_shared>>
      %dma_start3A_1227 = tpu.memref_slice %arg11[%mul3A_1220] : memref<256xf32, #tpu.memory_space<vmem_shared>> -> memref<16xf32, #tpu.memory_space<vmem_shared>>
      tpu.enqueue_dma source(%arg9 : memref<16xf32, #tpu.memory_space<vmem>>) target(%dma_start3A_1227 : memref<16xf32, #tpu.memory_space<vmem_shared>>) target_semaphore(%run_scoped3A : memref<!tpu.dma_semaphore, #tpu.memory_space<semaphore_mem>>)
      %dma_wait3A = tpu.memref_slice %arg11[%mul3A_1220] : memref<256xf32, #tpu.memory_space<vmem_shared>> -> memref<16xf32, #tpu.memory_space<vmem_shared>>
      %dma_wait3A_1228 = tpu.memref_slice %arg11[%mul3A_1220] : memref<256xf32, #tpu.memory_space<vmem_shared>> -> memref<16xf32, #tpu.memory_space<vmem_shared>>
      tpu.wait_dma2 semaphore(%run_scoped3A : memref<!tpu.dma_semaphore, #tpu.memory_space<semaphore_mem>>) src(%arg9 : memref<16xf32, #tpu.memory_space<vmem>>) dst(%dma_wait3A_1228 : memref<16xf32, #tpu.memory_space<vmem_shared>>)
      tpu.yield
    }) : () -> ()
    %barrier3A = arith.constant 0 : index
    tpu.barrier barrier_id(%barrier3A)
    %eq3A_1221 = arith.constant 0 : i32
    %eq3A_1222 = arith.cmpi eq, %arg1, %eq3A_1221 : i32
    %eq3A_1223 = arith.constant 0 : i32
    %eq3A_1224 = arith.cmpi eq, %arg0, %eq3A_1223 : i32
    %and3A_1225 = arith.andi %eq3A_1222, %eq3A_1224 : i1
    %convert_element_type3A = arith.extui %and3A_1225 : i1 to i32
    %cond3A = arith.constant 0 : i32
    %cond3A_1226 = arith.cmpi ne, %convert_element_type3A, %cond3A : i32
    scf.if %cond3A_1226 {
      "tpu.region"() ({
        %run_scoped3A = tpu.sem_alloc : memref<!tpu.dma_semaphore, #tpu.memory_space<semaphore_mem>>
        tpu.enqueue_dma source(%arg11 : memref<256xf32, #tpu.memory_space<vmem_shared>>) target(%arg10 : memref<256xf32, #tpu.memory_space<vmem>>) target_semaphore(%run_scoped3A : memref<!tpu.dma_semaphore, #tpu.memory_space<semaphore_mem>>)
        tpu.wait_dma2 semaphore(%run_scoped3A : memref<!tpu.dma_semaphore, #tpu.memory_space<semaphore_mem>>) src(%arg11 : memref<256xf32, #tpu.memory_space<vmem_shared>>) dst(%arg10 : memref<256xf32, #tpu.memory_space<vmem>>)
        tpu.yield
      }) : () -> ()
      %broadcast_in_dim3A_1227 = arith.constant 0.000000e+00 : f32
      %broadcast_in_dim3A_1228 = vector.broadcast %broadcast_in_dim3A_1227 : f32 to vector<16xf32>
      %get3A_1229 = arith.constant 0 : index
      %get3A_1230 = tpu.vector_load %arg10[%get3A_1229] {strides = array<i32>} : memref<256xf32, #tpu.memory_space<vmem>>, vector<16xf32>,
      %add3A_1231 = arith.addf %broadcast_in_dim3A_1228, %get3A_1230 : vector<16xf32>
      %get3A_1232 = arith.constant 16 : index
      %get3A_1233 = tpu.vector_load %arg10[%get3A_1232] {strides = array<i32>} : memref<256xf32, #tpu.memory_space<vmem>>, vector<16xf32>,
      %add3A_1234 = arith.addf %add3A_1231, %get3A_1233 : vector<16xf32>
      %get3A_1235 = arith.constant 32 : index
      %get3A_1236 = tpu.vector_load %arg10[%get3A_1235] {strides = array<i32>} : memref<256xf32, #tpu.memory_space<vmem>>, vector<16xf32>,
      %add3A_1237 = arith.addf %add3A_1234, %get3A_1236 : vector<16xf32>
      %get3A_1238 = arith.constant 48 : index
      %get3A_1239 = tpu.vector_load %arg10[%get3A_1238] {strides = array<i32>} : memref<256xf32, #tpu.memory_space<vmem>>, vector<16xf32>,
      %add3A_1240 = arith.addf %add3A_1237, %get3A_1239 : vector<16xf32>
      %get3A_1241 = arith.constant 64 : index
      %get3A_1242 = tpu.vector_load %arg10[%get3A_1241] {strides = array<i32>} : memref<256xf32, #tpu.memory_space<vmem>>, vector<16xf32>,
      %add3A_1243 = arith.addf %add3A_1240, %get3A_1242 : vector<16xf32>
      %get3A_1244 = arith.constant 80 : index
      %get3A_1245 = tpu.vector_load %arg10[%get3A_1244] {strides = array<i32>} : memref<256xf32, #tpu.memory_space<vmem>>, vector<16xf32>,
      %add3A_1246 = arith.addf %add3A_1243, %get3A_1245 : vector<16xf32>
      %get3A_1247 = arith.constant 96 : index
      %get3A_1248 = tpu.vector_load %arg10[%get3A_1247] {strides = array<i32>} : memref<256xf32, #tpu.memory_space<vmem>>, vector<16xf32>,
      %add3A_1249 = arith.addf %add3A_1246, %get3A_1248 : vector<16xf32>
      %get3A_1250 = arith.constant 112 : index
      %get3A_1251 = tpu.vector_load %arg10[%get3A_1250] {strides = array<i32>} : memref<256xf32, #tpu.memory_space<vmem>>, vector<16xf32>,
      %add3A_1252 = arith.addf %add3A_1249, %get3A_1251 : vector<16xf32>
      %get3A_1253 = arith.constant 128 : index
      %get3A_1254 = tpu.vector_load %arg10[%get3A_1253] {strides = array<i32>} : memref<256xf32, #tpu.memory_space<vmem>>, vector<16xf32>,
      %add3A_1255 = arith.addf %add3A_1252, %get3A_1254 : vector<16xf32>
      %get3A_1256 = arith.constant 144 : index
      %get3A_1257 = tpu.vector_load %arg10[%get3A_1256] {strides = array<i32>} : memref<256xf32, #tpu.memory_space<vmem>>, vector<16xf32>,
      %add3A_1258 = arith.addf %add3A_1255, %get3A_1257 : vector<16xf32>
      %get3A_1259 = arith.constant 160 : index
      %get3A_1260 = tpu.vector_load %arg10[%get3A_1259] {strides = array<i32>} : memref<256xf32, #tpu.memory_space<vmem>>, vector<16xf32>,
      %add3A_1261 = arith.addf %add3A_1258, %get3A_1260 : vector<16xf32>
      %get3A_1262 = arith.constant 176 : index
      %get3A_1263 = tpu.vector_load %arg10[%get3A_1262] {strides = array<i32>} : memref<256xf32, #tpu.memory_space<vmem>>, vector<16xf32>,
      %add3A_1264 = arith.addf %add3A_1261, %get3A_1263 : vector<16xf32>
      %get3A_1265 = arith.constant 192 : index
      %get3A_1266 = tpu.vector_load %arg10[%get3A_1265] {strides = array<i32>} : memref<256xf32, #tpu.memory_space<vmem>>, vector<16xf32>,
      %add3A_1267 = arith.addf %add3A_1264, %get3A_1266 : vector<16xf32>
      %get3A_1268 = arith.constant 208 : index
      %get3A_1269 = tpu.vector_load %arg10[%get3A_1268] {strides = array<i32>} : memref<256xf32, #tpu.memory_space<vmem>>, vector<16xf32>,
      %add3A_1270 = arith.addf %add3A_1267, %get3A_1269 : vector<16xf32>
      %get3A_1271 = arith.constant 224 : index
      %get3A_1272 = tpu.vector_load %arg10[%get3A_1271] {strides = array<i32>} : memref<256xf32, #tpu.memory_space<vmem>>, vector<16xf32>,
      %add3A_1273 = arith.addf %add3A_1270, %get3A_1272 : vector<16xf32>
      %get3A_1274 = arith.constant 240 : index
      %get3A_1275 = tpu.vector_load %arg10[%get3A_1274] {strides = array<i32>} : memref<256xf32, #tpu.memory_space<vmem>>, vector<16xf32>,
      %add3A_1276 = arith.addf %add3A_1273, %get3A_1275 : vector<16xf32>
      %reduce_sum3A = arith.constant true
      %reduce_sum3A_1277 = vector.broadcast %reduce_sum3A : i1 to vector<16xi1>
      %reduce_sum3A_1278 = tpu.scan <sum>, %add3A_1276 masked %reduce_sum3A_1277 : vector<16xf32>, vector<16xi1> -> vector<16xf32>
      %reduce_sum3A_1279 = vector.extract %reduce_sum3A_1278[15] : f32 from vector<16xf32>
      %broadcast_in_dim3A_1280 = arith.constant 0.000000e+00 : f32
      %broadcast_in_dim3A_1281 = vector.broadcast %broadcast_in_dim3A_1280 : f32 to vector<16xf32>
      %add3A_1282 = vector.broadcast %reduce_sum3A_1279 : f32 to vector<16xf32>
      %add3A_1283 = arith.addf %broadcast_in_dim3A_1281, %add3A_1282 : vector<16xf32>
      %mul3A_1284 = arith.mulf %add3A_1283, %bitcast_convert_type3A : vector<16xf32>
      %swap3A_1285 = arith.constant 0 : index
      %swap3A_1286 = tpu.vector_load %arg9[%swap3A_1285] {strides = array<i32>} : memref<16xf32, #tpu.memory_space<vmem>>, vector<16xf32>,
      tpu.vector_store %arg9[%swap3A_1285], %mul3A_1284 {strides = array<i32>} : memref<16xf32, #tpu.memory_space<vmem>>, vector<16xf32>,
      "tpu.region"() ({
        %run_scoped3A = tpu.sem_alloc : memref<!tpu.dma_semaphore, #tpu.memory_space<semaphore_mem>>
        tpu.enqueue_dma source(%arg9 : memref<16xf32, #tpu.memory_space<vmem>>) target(%arg5 : memref<16xf32, #tpu.memory_space<hbm>>) target_semaphore(%run_scoped3A : memref<!tpu.dma_semaphore, #tpu.memory_space<semaphore_mem>>)
        tpu.wait_dma2 semaphore(%run_scoped3A : memref<!tpu.dma_semaphore, #tpu.memory_space<semaphore_mem>>) src(%arg9 : memref<16xf32, #tpu.memory_space<vmem>>) dst(%arg5 : memref<16xf32, #tpu.memory_space<hbm>>)
        tpu.yield
      }) : () -> ()
    } else {
    }
    return
  }
}

module attributes {stable_mosaic.version = 14 : i64} {
  func.func @_tc_body(%arg0: i32, %arg1: memref<4096x128xf32, #tpu.memory_space<vmem>>, %arg2: memref<1x4096xi32, #tpu.memory_space<vmem>>, %arg3: memref<128x128xf32, #tpu.memory_space<vmem>>, %arg4: memref<1x16384xi32, #tpu.memory_space<vmem>>, %arg5: memref<1x16384xf32, #tpu.memory_space<vmem>>, %arg6: memref<1x48xi32, #tpu.memory_space<smem>>) attributes {dimension_semantics = [#tpu.dimension_semantics<arbitrary>], iteration_bounds = array<i64: 4>, scalar_prefetch = 0 : i64, scratch_operands = 0 : i64, tpu.core_type = #tpu.core_type<tc>, window_params = [{transform_indices = @transform_0, window_bounds = array<i64: 4096, 128>}, {transform_indices = @transform_1, window_bounds = array<i64: 1, 4096>}, {pipeline_mode = #tpu.pipeline_mode<synchronous>, transform_indices = @transform_2, window_bounds = array<i64: 128, 128>}, {pipeline_mode = #tpu.pipeline_mode<synchronous>, transform_indices = @transform_3, window_bounds = array<i64: 1, 16384>}, {pipeline_mode = #tpu.pipeline_mode<synchronous>, transform_indices = @transform_4, window_bounds = array<i64: 1, 16384>}, {transform_indices = @transform_5, window_bounds = array<i64: 1, 48>}]} {
    %get3A = arith.constant 0 : index
    %get3A_0 = arith.constant 0 : index
    %get3A_1 = vector.load %arg1[%get3A, %get3A_0] : memref<4096x128xf32, #tpu.memory_space<vmem>>, vector<4096x128xf32>
    %get3A_2 = arith.constant 0 : index
    %get3A_3 = arith.constant 0 : index
    %get3A_4 = vector.load %arg3[%get3A_2, %get3A_3] : memref<128x128xf32, #tpu.memory_space<vmem>>, vector<128x128xf32>
    %get3A_5 = arith.constant 0 : index
    %get3A_6 = arith.constant 0 : index
    %get3A_7 = vector.load %arg2[%get3A_5, %get3A_6] : memref<1x4096xi32, #tpu.memory_space<vmem>>, vector<1x4096xi32>
    %mul3A = arith.constant -2.000000e+00 : f32
    %mul3A_8 = vector.broadcast %mul3A : f32 to vector<128x128xf32>
    %mul3A_9 = arith.mulf %get3A_4, %mul3A_8 : vector<128x128xf32>
    %mul3A_10 = arith.mulf %get3A_4, %get3A_4 : vector<128x128xf32>
    %reduce_sum3A = arith.constant dense<0.000000e+00> : vector<128xf32>
    %reduce_sum3A_11 = vector.multi_reduction <add>, %mul3A_10, %reduce_sum3A [1] : vector<128x128xf32> to vector<128xf32>
    %broadcast_in_dim3A = vector.shape_cast %reduce_sum3A_11 : vector<128xf32> to vector<128x1xf32>
    %transpose3A = tpu.transpose %get3A_1, [1, 0] : vector<4096x128xf32> -> vector<128x4096xf32>
    %dot_general3A = arith.constant dense<0.000000e+00> : vector<128x4096xf32>
    %dot_general3A_12 = tpu.matmul %mul3A_9, %transpose3A, %dot_general3A {dimension_numbers = #tpu.dot_dimension_numbers<[1], [0], [0], [1], [0, 0, 1, 1], [], []>, transpose_lhs_hint = false} : vector<128x128xf32>, vector<128x4096xf32>, vector<128x4096xf32> -> vector<128x4096xf32>
    %add3A = vector.broadcast %broadcast_in_dim3A : vector<128x1xf32> to vector<128x4096xf32>
    %add3A_13 = arith.addf %dot_general3A_12, %add3A : vector<128x4096xf32>
    %reduce_min3A = arith.constant dense<0x7F800000> : vector<4096xf32>
    %reduce_min3A_14 = vector.multi_reduction <minimumf>, %add3A_13, %reduce_min3A [0] : vector<128x4096xf32> to vector<4096xf32>
    %broadcast_in_dim3A_15 = vector.shape_cast %reduce_min3A_14 : vector<4096xf32> to vector<1x4096xf32>
    %iota3A = tpu.iota {dimensions = array<i32: 0>} : vector<128x4096xi32>
    %eq3A = vector.broadcast %broadcast_in_dim3A_15 : vector<1x4096xf32> to vector<128x4096xf32>
    %eq3A_16 = arith.cmpf oeq, %add3A_13, %eq3A : vector<128x4096xf32>
    %jit3A = arith.constant 2147483647 : i32
    %broadcast_in_dim3A_17 = vector.broadcast %jit3A : i32 to vector<128x4096xi32>
    %select_n3A = arith.select %eq3A_16, %iota3A, %broadcast_in_dim3A_17 : vector<128x4096xi1>, vector<128x4096xi32>
    %reduce_min3A_18 = arith.constant dense<2147483647> : vector<4096xi32>
    %reduce_min3A_19 = vector.multi_reduction <minsi>, %select_n3A, %reduce_min3A_18 [0] : vector<128x4096xi32> to vector<4096xi32>
    %broadcast_in_dim3A_20 = vector.shape_cast %reduce_min3A_19 : vector<4096xi32> to vector<1x4096xi32>
    %mul3A_21 = arith.mulf %get3A_1, %get3A_1 : vector<4096x128xf32>
    %exp3A = math.exp %get3A_1 : vector<4096x128xf32>
    %broadcast_in_dim3A_22 = arith.constant 1.000000e+00 : f32
    %broadcast_in_dim3A_23 = vector.broadcast %broadcast_in_dim3A_22 : f32 to vector<8x128xf32>
    %dot_general3A_24 = arith.constant dense<0.000000e+00> : vector<8x4096xf32>
    %dot_general3A_25 = tpu.matmul %broadcast_in_dim3A_23, %mul3A_21, %dot_general3A_24 {dimension_numbers = #tpu.dot_dimension_numbers<[1], [1], [0], [0], [0, 0, 1, 0], [], []>, transpose_lhs_hint = false} : vector<8x128xf32>, vector<4096x128xf32>, vector<8x4096xf32> -> vector<8x4096xf32>
    %dot_general3A_26 = arith.constant dense<0.000000e+00> : vector<8x4096xf32>
    %dot_general3A_27 = tpu.matmul %broadcast_in_dim3A_23, %exp3A, %dot_general3A_26 {dimension_numbers = #tpu.dot_dimension_numbers<[1], [1], [0], [0], [0, 0, 1, 0], [], []>, transpose_lhs_hint = false} : vector<8x128xf32>, vector<4096x128xf32>, vector<8x4096xf32> -> vector<8x4096xf32>
    %slice3A = vector.extract_strided_slice %dot_general3A_25 {offsets = [0, 0], sizes = [1, 4096], strides = [1, 1]} : vector<8x4096xf32> to vector<1x4096xf32>
    %slice3A_28 = vector.extract_strided_slice %dot_general3A_27 {offsets = [0, 0], sizes = [1, 4096], strides = [1, 1]} : vector<8x4096xf32> to vector<1x4096xf32>
    %log3A = math.log %slice3A_28 : vector<1x4096xf32>
    %add3A_29 = arith.addf %broadcast_in_dim3A_15, %slice3A : vector<1x4096xf32>
    %max3A = arith.constant 0.000000e+00 : f32
    %max3A_30 = vector.broadcast %max3A : f32 to vector<1x4096xf32>
    %max3A_31 = arith.maximumf %add3A_29, %max3A_30 : vector<1x4096xf32>
    %gt3A = arith.constant 127 : i32
    %gt3A_32 = vector.broadcast %gt3A : i32 to vector<1x4096xi32>
    %gt3A_33 = arith.cmpi sgt, %get3A_7, %gt3A_32 : vector<1x4096xi32>
    %select_n3A_34 = arith.select %gt3A_33, %broadcast_in_dim3A_20, %get3A_7 : vector<1x4096xi1>, vector<1x4096xi32>
    %eq3A_35 = vector.broadcast %select_n3A_34 : vector<1x4096xi32> to vector<128x4096xi32>
    %eq3A_36 = arith.cmpi eq, %iota3A, %eq3A_35 : vector<128x4096xi32>
    %jit3A_37 = arith.constant 0.000000e+00 : f32
    %broadcast_in_dim3A_38 = vector.broadcast %jit3A_37 : f32 to vector<128x4096xf32>
    %select_n3A_39 = arith.select %eq3A_36, %transpose3A, %broadcast_in_dim3A_38 : vector<128x4096xi1>, vector<128x4096xf32>
    %reduce_sum3A_40 = arith.constant dense<0.000000e+00> : vector<4096xf32>
    %reduce_sum3A_41 = vector.multi_reduction <add>, %select_n3A_39, %reduce_sum3A_40 [0] : vector<128x4096xf32> to vector<4096xf32>
    %broadcast_in_dim3A_42 = vector.shape_cast %reduce_sum3A_41 : vector<4096xf32> to vector<1x4096xf32>
    %sub3A = arith.subf %log3A, %broadcast_in_dim3A_42 : vector<1x4096xf32>
    %bitcast_convert_type3A = tpu.bitcast %max3A_31 : vector<1x4096xf32> -> vector<1x4096xi32>
    %jit3A_43 = arith.constant 2147483647 : i32
    %broadcast_in_dim3A_44 = vector.broadcast %jit3A_43 : i32 to vector<1x4096xi32>
    %select_n3A_45 = arith.select %gt3A_33, %bitcast_convert_type3A, %broadcast_in_dim3A_44 : vector<1x4096xi1>, vector<1x4096xi32>
    %mul3A_46 = arith.constant 4096 : i32
    %mul3A_47 = arith.muli %arg0, %mul3A_46 : i32
    %swap3A = arith.constant 0 : index
    %swap3A_48 = arith.index_cast %mul3A_47 : i32 to index
    %swap3A_49 = vector.load %arg4[%swap3A, %swap3A_48] : memref<1x16384xi32, #tpu.memory_space<vmem>>, vector<1x4096xi32>
    tpu.vector_store %arg4[%swap3A, %swap3A_48], %select_n3A_45 {strides = array<i32>} : memref<1x16384xi32, #tpu.memory_space<vmem>>, vector<1x4096xi32>,
    %mul3A_50 = arith.constant 4096 : i32
    %mul3A_51 = arith.muli %arg0, %mul3A_50 : i32
    %swap3A_52 = arith.constant 0 : index
    %swap3A_53 = arith.index_cast %mul3A_51 : i32 to index
    %swap3A_54 = vector.load %arg5[%swap3A_52, %swap3A_53] : memref<1x16384xf32, #tpu.memory_space<vmem>>, vector<1x4096xf32>
    tpu.vector_store %arg5[%swap3A_52, %swap3A_53], %sub3A {strides = array<i32>} : memref<1x16384xf32, #tpu.memory_space<vmem>>, vector<1x4096xf32>,
    %eq3A_55 = arith.constant 3 : i32
    %eq3A_56 = arith.cmpi eq, %arg0, %eq3A_55 : i32
    %convert_element_type3A = arith.extui %eq3A_56 : i1 to i32
    %cond3A = arith.constant 0 : i32
    %cond3A_57 = arith.cmpi ne, %convert_element_type3A, %cond3A : i32
    scf.if %cond3A_57 {
      %get3A_58 = arith.constant 0 : index
      %get3A_59 = arith.constant 0 : index
      %get3A_60 = vector.load %arg4[%get3A_58, %get3A_59] : memref<1x16384xi32, #tpu.memory_space<vmem>>, vector<1x16384xi32>
      %ne3A = arith.constant 2147483647 : i32
      %ne3A_61 = vector.broadcast %ne3A : i32 to vector<1x16384xi32>
      %ne3A_62 = arith.cmpi ne, %get3A_60, %ne3A_61 : vector<1x16384xi32>
      %convert_element_type3A_63 = arith.extui %ne3A_62 : vector<1x16384xi1> to vector<1x16384xi32>
      %reduce_sum3A_64 = vector.shape_cast %convert_element_type3A_63 : vector<1x16384xi32> to vector<1x1x16384xi32>
      %reduce_sum3A_65 = arith.constant dense<0> : vector<1xi32>
      %reduce_sum3A_66 = vector.multi_reduction <add>, %reduce_sum3A_64, %reduce_sum3A_65 [1, 2] : vector<1x1x16384xi32> to vector<1xi32>
      %reduce_sum3A_67 = vector.shape_cast %reduce_sum3A_66 : vector<1xi32> to vector<1x1x1xi32>
      %reduce_sum3A_68 = vector.extract %reduce_sum3A_67[0, 0, 0] : i32 from vector<1x1x1xi32>
      %sub3A_69 = arith.constant 16384 : i32
      %sub3A_70 = arith.subi %sub3A_69, %reduce_sum3A_68 : i32
      %jit3A_71 = arith.constant 10 : i32
      %div3A = arith.divsi %reduce_sum3A_68, %jit3A_71 : i32
      %sign3A = arith.constant 0 : i32
      %sign3A_72 = arith.cmpi sgt, %reduce_sum3A_68, %sign3A : i32
      %sign3A_73 = arith.extui %sign3A_72 : i1 to i32
      %sign3A_74 = arith.constant 0 : i32
      %sign3A_75 = arith.cmpi slt, %reduce_sum3A_68, %sign3A_74 : i32
      %sign3A_76 = arith.extui %sign3A_75 : i1 to i32
      %sign3A_77 = arith.subi %sign3A_73, %sign3A_76 : i32
      %sign3A_78 = arith.constant 0 : i32
      %sign3A_79 = arith.cmpi sgt, %jit3A_71, %sign3A_78 : i32
      %sign3A_80 = arith.extui %sign3A_79 : i1 to i32
      %sign3A_81 = arith.constant 0 : i32
      %sign3A_82 = arith.cmpi slt, %jit3A_71, %sign3A_81 : i32
      %sign3A_83 = arith.extui %sign3A_82 : i1 to i32
      %sign3A_84 = arith.subi %sign3A_80, %sign3A_83 : i32
      %ne3A_85 = arith.cmpi ne, %sign3A_77, %sign3A_84 : i32
      %rem3A = arith.remsi %reduce_sum3A_68, %jit3A_71 : i32
      %ne3A_86 = arith.constant 0 : i32
      %ne3A_87 = arith.cmpi ne, %rem3A, %ne3A_86 : i32
      %and3A = arith.andi %ne3A_85, %ne3A_87 : i1
      %sub3A_88 = arith.constant 1 : i32
      %sub3A_89 = arith.subi %div3A, %sub3A_88 : i32
      %select_n3A_90 = arith.select %and3A, %sub3A_89, %div3A : i32
      %scan3A = arith.constant 0 : i32
      %scan3A_91 = arith.constant 2139095041 : i32
      %scan3A_92 = arith.constant 0 : i32
      %scan3A_93 = arith.constant 31 : i32
      %scan3A_94 = arith.addi %scan3A_92, %scan3A_93 : i32
      %scan3A_95 = arith.constant 1 : i32
      %scan3A_96:2 = scf.for %scan3A_264 = %scan3A_92 to %scan3A_94 step %scan3A_95 iter_args(%scan3A_265 = %scan3A, %scan3A_266 = %scan3A_91) -> (i32, i32)  : i32 {
        %sub3A_267 = arith.subi %scan3A_266, %scan3A_265 : i32
        %jit3A_268 = arith.constant 2 : i32
        %div3A_269 = arith.divsi %sub3A_267, %jit3A_268 : i32
        %sign3A_270 = arith.constant 0 : i32
        %sign3A_271 = arith.cmpi sgt, %sub3A_267, %sign3A_270 : i32
        %sign3A_272 = arith.extui %sign3A_271 : i1 to i32
        %sign3A_273 = arith.constant 0 : i32
        %sign3A_274 = arith.cmpi slt, %sub3A_267, %sign3A_273 : i32
        %sign3A_275 = arith.extui %sign3A_274 : i1 to i32
        %sign3A_276 = arith.subi %sign3A_272, %sign3A_275 : i32
        %sign3A_277 = arith.constant 0 : i32
        %sign3A_278 = arith.cmpi sgt, %jit3A_268, %sign3A_277 : i32
        %sign3A_279 = arith.extui %sign3A_278 : i1 to i32
        %sign3A_280 = arith.constant 0 : i32
        %sign3A_281 = arith.cmpi slt, %jit3A_268, %sign3A_280 : i32
        %sign3A_282 = arith.extui %sign3A_281 : i1 to i32
        %sign3A_283 = arith.subi %sign3A_279, %sign3A_282 : i32
        %ne3A_284 = arith.cmpi ne, %sign3A_276, %sign3A_283 : i32
        %rem3A_285 = arith.remsi %sub3A_267, %jit3A_268 : i32
        %ne3A_286 = arith.constant 0 : i32
        %ne3A_287 = arith.cmpi ne, %rem3A_285, %ne3A_286 : i32
        %and3A_288 = arith.andi %ne3A_284, %ne3A_287 : i1
        %sub3A_289 = arith.constant 1 : i32
        %sub3A_290 = arith.subi %div3A_269, %sub3A_289 : i32
        %select_n3A_291 = arith.select %and3A_288, %sub3A_290, %div3A_269 : i32
        %add3A_292 = arith.addi %scan3A_265, %select_n3A_291 : i32
        %le3A = vector.broadcast %add3A_292 : i32 to vector<1x16384xi32>
        %le3A_293 = arith.cmpi sle, %get3A_60, %le3A : vector<1x16384xi32>
        %convert_element_type3A_294 = arith.extui %le3A_293 : vector<1x16384xi1> to vector<1x16384xi32>
        %reduce_sum3A_295 = vector.shape_cast %convert_element_type3A_294 : vector<1x16384xi32> to vector<1x1x16384xi32>
        %reduce_sum3A_296 = arith.constant dense<0> : vector<1xi32>
        %reduce_sum3A_297 = vector.multi_reduction <add>, %reduce_sum3A_295, %reduce_sum3A_296 [1, 2] : vector<1x1x16384xi32> to vector<1xi32>
        %reduce_sum3A_298 = vector.shape_cast %reduce_sum3A_297 : vector<1xi32> to vector<1x1x1xi32>
        %reduce_sum3A_299 = vector.extract %reduce_sum3A_298[0, 0, 0] : i32 from vector<1x1x1xi32>
        %ge3A = arith.cmpi sge, %reduce_sum3A_299, %select_n3A_90 : i32
        %add3A_300 = arith.constant 1 : i32
        %add3A_301 = arith.addi %add3A_292, %add3A_300 : i32
        %select_n3A_302 = arith.select %ge3A, %scan3A_265, %add3A_301 : i32
        %select_n3A_303 = arith.select %ge3A, %add3A_292, %scan3A_266 : i32
        scf.yield %select_n3A_302, %select_n3A_303 : i32, i32
      }
      %lt3A = vector.broadcast %scan3A_96#0 : i32 to vector<1x16384xi32>
      %lt3A_97 = arith.cmpi slt, %get3A_60, %lt3A : vector<1x16384xi32>
      %convert_element_type3A_98 = arith.extui %lt3A_97 : vector<1x16384xi1> to vector<1x16384xi32>
      %reduce_sum3A_99 = vector.shape_cast %convert_element_type3A_98 : vector<1x16384xi32> to vector<1x1x16384xi32>
      %reduce_sum3A_100 = arith.constant dense<0> : vector<1xi32>
      %reduce_sum3A_101 = vector.multi_reduction <add>, %reduce_sum3A_99, %reduce_sum3A_100 [1, 2] : vector<1x1x16384xi32> to vector<1xi32>
      %reduce_sum3A_102 = vector.shape_cast %reduce_sum3A_101 : vector<1xi32> to vector<1x1x1xi32>
      %reduce_sum3A_103 = vector.extract %reduce_sum3A_102[0, 0, 0] : i32 from vector<1x1x1xi32>
      %sub3A_104 = arith.subi %select_n3A_90, %reduce_sum3A_103 : i32
      %iota3A_105 = tpu.iota {dimensions = array<i32: 1>} : vector<1x16384xi32>
      %eq3A_106 = vector.broadcast %scan3A_96#0 : i32 to vector<1x16384xi32>
      %eq3A_107 = arith.cmpi eq, %get3A_60, %eq3A_106 : vector<1x16384xi32>
      %scan3A_108 = arith.constant 0 : i32
      %scan3A_109 = arith.constant 16384 : i32
      %scan3A_110 = arith.constant 0 : i32
      %scan3A_111 = arith.constant 15 : i32
      %scan3A_112 = arith.addi %scan3A_110, %scan3A_111 : i32
      %scan3A_113 = arith.constant 1 : i32
      %scan3A_114:2 = scf.for %scan3A_264 = %scan3A_110 to %scan3A_112 step %scan3A_113 iter_args(%scan3A_265 = %scan3A_108, %scan3A_266 = %scan3A_109) -> (i32, i32)  : i32 {
        %sub3A_267 = arith.subi %scan3A_266, %scan3A_265 : i32
        %jit3A_268 = arith.constant 2 : i32
        %div3A_269 = arith.divsi %sub3A_267, %jit3A_268 : i32
        %sign3A_270 = arith.constant 0 : i32
        %sign3A_271 = arith.cmpi sgt, %sub3A_267, %sign3A_270 : i32
        %sign3A_272 = arith.extui %sign3A_271 : i1 to i32
        %sign3A_273 = arith.constant 0 : i32
        %sign3A_274 = arith.cmpi slt, %sub3A_267, %sign3A_273 : i32
        %sign3A_275 = arith.extui %sign3A_274 : i1 to i32
        %sign3A_276 = arith.subi %sign3A_272, %sign3A_275 : i32
        %sign3A_277 = arith.constant 0 : i32
        %sign3A_278 = arith.cmpi sgt, %jit3A_268, %sign3A_277 : i32
        %sign3A_279 = arith.extui %sign3A_278 : i1 to i32
        %sign3A_280 = arith.constant 0 : i32
        %sign3A_281 = arith.cmpi slt, %jit3A_268, %sign3A_280 : i32
        %sign3A_282 = arith.extui %sign3A_281 : i1 to i32
        %sign3A_283 = arith.subi %sign3A_279, %sign3A_282 : i32
        %ne3A_284 = arith.cmpi ne, %sign3A_276, %sign3A_283 : i32
        %rem3A_285 = arith.remsi %sub3A_267, %jit3A_268 : i32
        %ne3A_286 = arith.constant 0 : i32
        %ne3A_287 = arith.cmpi ne, %rem3A_285, %ne3A_286 : i32
        %and3A_288 = arith.andi %ne3A_284, %ne3A_287 : i1
        %sub3A_289 = arith.constant 1 : i32
        %sub3A_290 = arith.subi %div3A_269, %sub3A_289 : i32
        %select_n3A_291 = arith.select %and3A_288, %sub3A_290, %div3A_269 : i32
        %add3A_292 = arith.addi %scan3A_265, %select_n3A_291 : i32
        %lt3A_293 = vector.broadcast %add3A_292 : i32 to vector<1x16384xi32>
        %lt3A_294 = arith.cmpi slt, %iota3A_105, %lt3A_293 : vector<1x16384xi32>
        %and3A_295 = arith.andi %eq3A_107, %lt3A_294 : vector<1x16384xi1>
        %convert_element_type3A_296 = arith.extui %and3A_295 : vector<1x16384xi1> to vector<1x16384xi32>
        %reduce_sum3A_297 = vector.shape_cast %convert_element_type3A_296 : vector<1x16384xi32> to vector<1x1x16384xi32>
        %reduce_sum3A_298 = arith.constant dense<0> : vector<1xi32>
        %reduce_sum3A_299 = vector.multi_reduction <add>, %reduce_sum3A_297, %reduce_sum3A_298 [1, 2] : vector<1x1x16384xi32> to vector<1xi32>
        %reduce_sum3A_300 = vector.shape_cast %reduce_sum3A_299 : vector<1xi32> to vector<1x1x1xi32>
        %reduce_sum3A_301 = vector.extract %reduce_sum3A_300[0, 0, 0] : i32 from vector<1x1x1xi32>
        %ge3A = arith.cmpi sge, %reduce_sum3A_301, %sub3A_104 : i32
        %add3A_302 = arith.constant 1 : i32
        %add3A_303 = arith.addi %add3A_292, %add3A_302 : i32
        %select_n3A_304 = arith.select %ge3A, %scan3A_265, %add3A_303 : i32
        %select_n3A_305 = arith.select %ge3A, %add3A_292, %scan3A_266 : i32
        scf.yield %select_n3A_304, %select_n3A_305 : i32, i32
      }
      %add3A_115 = arith.addi %sub3A_70, %select_n3A_90 : i32
      %convert_element_type3A_116 = arith.sitofp %add3A_115 : i32 to f32
      %div3A_117 = arith.constant 1.000000e+00 : f32
      %div3A_118 = arith.divf %div3A_117, %convert_element_type3A_116 : f32
      %bitcast_convert_type3A_119 = arith.bitcast %div3A_118 : f32 to i32
      %swap3A_120 = arith.constant 0 : index
      %swap3A_121 = arith.constant 0 : index
      %swap3A_122 = memref.load %arg6[%swap3A_120, %swap3A_121] : memref<1x48xi32, #tpu.memory_space<smem>>
      memref.store %scan3A_96#0, %arg6[%swap3A_120, %swap3A_121] : memref<1x48xi32, #tpu.memory_space<smem>>
      %swap3A_123 = arith.constant 0 : index
      %swap3A_124 = arith.constant 16 : index
      %swap3A_125 = memref.load %arg6[%swap3A_123, %swap3A_124] : memref<1x48xi32, #tpu.memory_space<smem>>
      memref.store %scan3A_114#0, %arg6[%swap3A_123, %swap3A_124] : memref<1x48xi32, #tpu.memory_space<smem>>
      %swap3A_126 = arith.constant 0 : index
      %swap3A_127 = arith.constant 32 : index
      %swap3A_128 = memref.load %arg6[%swap3A_126, %swap3A_127] : memref<1x48xi32, #tpu.memory_space<smem>>
      memref.store %bitcast_convert_type3A_119, %arg6[%swap3A_126, %swap3A_127] : memref<1x48xi32, #tpu.memory_space<smem>>
      %swap3A_129 = arith.constant 0 : index
      %swap3A_130 = arith.constant 1 : index
      %swap3A_131 = memref.load %arg6[%swap3A_129, %swap3A_130] : memref<1x48xi32, #tpu.memory_space<smem>>
      memref.store %scan3A_96#0, %arg6[%swap3A_129, %swap3A_130] : memref<1x48xi32, #tpu.memory_space<smem>>
      %swap3A_132 = arith.constant 0 : index
      %swap3A_133 = arith.constant 17 : index
      %swap3A_134 = memref.load %arg6[%swap3A_132, %swap3A_133] : memref<1x48xi32, #tpu.memory_space<smem>>
      memref.store %scan3A_114#0, %arg6[%swap3A_132, %swap3A_133] : memref<1x48xi32, #tpu.memory_space<smem>>
      %swap3A_135 = arith.constant 0 : index
      %swap3A_136 = arith.constant 33 : index
      %swap3A_137 = memref.load %arg6[%swap3A_135, %swap3A_136] : memref<1x48xi32, #tpu.memory_space<smem>>
      memref.store %bitcast_convert_type3A_119, %arg6[%swap3A_135, %swap3A_136] : memref<1x48xi32, #tpu.memory_space<smem>>
      %swap3A_138 = arith.constant 0 : index
      %swap3A_139 = arith.constant 2 : index
      %swap3A_140 = memref.load %arg6[%swap3A_138, %swap3A_139] : memref<1x48xi32, #tpu.memory_space<smem>>
      memref.store %scan3A_96#0, %arg6[%swap3A_138, %swap3A_139] : memref<1x48xi32, #tpu.memory_space<smem>>
      %swap3A_141 = arith.constant 0 : index
      %swap3A_142 = arith.constant 18 : index
      %swap3A_143 = memref.load %arg6[%swap3A_141, %swap3A_142] : memref<1x48xi32, #tpu.memory_space<smem>>
      memref.store %scan3A_114#0, %arg6[%swap3A_141, %swap3A_142] : memref<1x48xi32, #tpu.memory_space<smem>>
      %swap3A_144 = arith.constant 0 : index
      %swap3A_145 = arith.constant 34 : index
      %swap3A_146 = memref.load %arg6[%swap3A_144, %swap3A_145] : memref<1x48xi32, #tpu.memory_space<smem>>
      memref.store %bitcast_convert_type3A_119, %arg6[%swap3A_144, %swap3A_145] : memref<1x48xi32, #tpu.memory_space<smem>>
      %swap3A_147 = arith.constant 0 : index
      %swap3A_148 = arith.constant 3 : index
      %swap3A_149 = memref.load %arg6[%swap3A_147, %swap3A_148] : memref<1x48xi32, #tpu.memory_space<smem>>
      memref.store %scan3A_96#0, %arg6[%swap3A_147, %swap3A_148] : memref<1x48xi32, #tpu.memory_space<smem>>
      %swap3A_150 = arith.constant 0 : index
      %swap3A_151 = arith.constant 19 : index
      %swap3A_152 = memref.load %arg6[%swap3A_150, %swap3A_151] : memref<1x48xi32, #tpu.memory_space<smem>>
      memref.store %scan3A_114#0, %arg6[%swap3A_150, %swap3A_151] : memref<1x48xi32, #tpu.memory_space<smem>>
      %swap3A_153 = arith.constant 0 : index
      %swap3A_154 = arith.constant 35 : index
      %swap3A_155 = memref.load %arg6[%swap3A_153, %swap3A_154] : memref<1x48xi32, #tpu.memory_space<smem>>
      memref.store %bitcast_convert_type3A_119, %arg6[%swap3A_153, %swap3A_154] : memref<1x48xi32, #tpu.memory_space<smem>>
      %swap3A_156 = arith.constant 0 : index
      %swap3A_157 = arith.constant 4 : index
      %swap3A_158 = memref.load %arg6[%swap3A_156, %swap3A_157] : memref<1x48xi32, #tpu.memory_space<smem>>
      memref.store %scan3A_96#0, %arg6[%swap3A_156, %swap3A_157] : memref<1x48xi32, #tpu.memory_space<smem>>
      %swap3A_159 = arith.constant 0 : index
      %swap3A_160 = arith.constant 20 : index
      %swap3A_161 = memref.load %arg6[%swap3A_159, %swap3A_160] : memref<1x48xi32, #tpu.memory_space<smem>>
      memref.store %scan3A_114#0, %arg6[%swap3A_159, %swap3A_160] : memref<1x48xi32, #tpu.memory_space<smem>>
      %swap3A_162 = arith.constant 0 : index
      %swap3A_163 = arith.constant 36 : index
      %swap3A_164 = memref.load %arg6[%swap3A_162, %swap3A_163] : memref<1x48xi32, #tpu.memory_space<smem>>
      memref.store %bitcast_convert_type3A_119, %arg6[%swap3A_162, %swap3A_163] : memref<1x48xi32, #tpu.memory_space<smem>>
      %swap3A_165 = arith.constant 0 : index
      %swap3A_166 = arith.constant 5 : index
      %swap3A_167 = memref.load %arg6[%swap3A_165, %swap3A_166] : memref<1x48xi32, #tpu.memory_space<smem>>
      memref.store %scan3A_96#0, %arg6[%swap3A_165, %swap3A_166] : memref<1x48xi32, #tpu.memory_space<smem>>
      %swap3A_168 = arith.constant 0 : index
      %swap3A_169 = arith.constant 21 : index
      %swap3A_170 = memref.load %arg6[%swap3A_168, %swap3A_169] : memref<1x48xi32, #tpu.memory_space<smem>>
      memref.store %scan3A_114#0, %arg6[%swap3A_168, %swap3A_169] : memref<1x48xi32, #tpu.memory_space<smem>>
      %swap3A_171 = arith.constant 0 : index
      %swap3A_172 = arith.constant 37 : index
      %swap3A_173 = memref.load %arg6[%swap3A_171, %swap3A_172] : memref<1x48xi32, #tpu.memory_space<smem>>
      memref.store %bitcast_convert_type3A_119, %arg6[%swap3A_171, %swap3A_172] : memref<1x48xi32, #tpu.memory_space<smem>>
      %swap3A_174 = arith.constant 0 : index
      %swap3A_175 = arith.constant 6 : index
      %swap3A_176 = memref.load %arg6[%swap3A_174, %swap3A_175] : memref<1x48xi32, #tpu.memory_space<smem>>
      memref.store %scan3A_96#0, %arg6[%swap3A_174, %swap3A_175] : memref<1x48xi32, #tpu.memory_space<smem>>
      %swap3A_177 = arith.constant 0 : index
      %swap3A_178 = arith.constant 22 : index
      %swap3A_179 = memref.load %arg6[%swap3A_177, %swap3A_178] : memref<1x48xi32, #tpu.memory_space<smem>>
      memref.store %scan3A_114#0, %arg6[%swap3A_177, %swap3A_178] : memref<1x48xi32, #tpu.memory_space<smem>>
      %swap3A_180 = arith.constant 0 : index
      %swap3A_181 = arith.constant 38 : index
      %swap3A_182 = memref.load %arg6[%swap3A_180, %swap3A_181] : memref<1x48xi32, #tpu.memory_space<smem>>
      memref.store %bitcast_convert_type3A_119, %arg6[%swap3A_180, %swap3A_181] : memref<1x48xi32, #tpu.memory_space<smem>>
      %swap3A_183 = arith.constant 0 : index
      %swap3A_184 = arith.constant 7 : index
      %swap3A_185 = memref.load %arg6[%swap3A_183, %swap3A_184] : memref<1x48xi32, #tpu.memory_space<smem>>
      memref.store %scan3A_96#0, %arg6[%swap3A_183, %swap3A_184] : memref<1x48xi32, #tpu.memory_space<smem>>
      %swap3A_186 = arith.constant 0 : index
      %swap3A_187 = arith.constant 23 : index
      %swap3A_188 = memref.load %arg6[%swap3A_186, %swap3A_187] : memref<1x48xi32, #tpu.memory_space<smem>>
      memref.store %scan3A_114#0, %arg6[%swap3A_186, %swap3A_187] : memref<1x48xi32, #tpu.memory_space<smem>>
      %swap3A_189 = arith.constant 0 : index
      %swap3A_190 = arith.constant 39 : index
      %swap3A_191 = memref.load %arg6[%swap3A_189, %swap3A_190] : memref<1x48xi32, #tpu.memory_space<smem>>
      memref.store %bitcast_convert_type3A_119, %arg6[%swap3A_189, %swap3A_190] : memref<1x48xi32, #tpu.memory_space<smem>>
      %swap3A_192 = arith.constant 0 : index
      %swap3A_193 = arith.constant 8 : index
      %swap3A_194 = memref.load %arg6[%swap3A_192, %swap3A_193] : memref<1x48xi32, #tpu.memory_space<smem>>
      memref.store %scan3A_96#0, %arg6[%swap3A_192, %swap3A_193] : memref<1x48xi32, #tpu.memory_space<smem>>
      %swap3A_195 = arith.constant 0 : index
      %swap3A_196 = arith.constant 24 : index
      %swap3A_197 = memref.load %arg6[%swap3A_195, %swap3A_196] : memref<1x48xi32, #tpu.memory_space<smem>>
      memref.store %scan3A_114#0, %arg6[%swap3A_195, %swap3A_196] : memref<1x48xi32, #tpu.memory_space<smem>>
      %swap3A_198 = arith.constant 0 : index
      %swap3A_199 = arith.constant 40 : index
      %swap3A_200 = memref.load %arg6[%swap3A_198, %swap3A_199] : memref<1x48xi32, #tpu.memory_space<smem>>
      memref.store %bitcast_convert_type3A_119, %arg6[%swap3A_198, %swap3A_199] : memref<1x48xi32, #tpu.memory_space<smem>>
      %swap3A_201 = arith.constant 0 : index
      %swap3A_202 = arith.constant 9 : index
      %swap3A_203 = memref.load %arg6[%swap3A_201, %swap3A_202] : memref<1x48xi32, #tpu.memory_space<smem>>
      memref.store %scan3A_96#0, %arg6[%swap3A_201, %swap3A_202] : memref<1x48xi32, #tpu.memory_space<smem>>
      %swap3A_204 = arith.constant 0 : index
      %swap3A_205 = arith.constant 25 : index
      %swap3A_206 = memref.load %arg6[%swap3A_204, %swap3A_205] : memref<1x48xi32, #tpu.memory_space<smem>>
      memref.store %scan3A_114#0, %arg6[%swap3A_204, %swap3A_205] : memref<1x48xi32, #tpu.memory_space<smem>>
      %swap3A_207 = arith.constant 0 : index
      %swap3A_208 = arith.constant 41 : index
      %swap3A_209 = memref.load %arg6[%swap3A_207, %swap3A_208] : memref<1x48xi32, #tpu.memory_space<smem>>
      memref.store %bitcast_convert_type3A_119, %arg6[%swap3A_207, %swap3A_208] : memref<1x48xi32, #tpu.memory_space<smem>>
      %swap3A_210 = arith.constant 0 : index
      %swap3A_211 = arith.constant 10 : index
      %swap3A_212 = memref.load %arg6[%swap3A_210, %swap3A_211] : memref<1x48xi32, #tpu.memory_space<smem>>
      memref.store %scan3A_96#0, %arg6[%swap3A_210, %swap3A_211] : memref<1x48xi32, #tpu.memory_space<smem>>
      %swap3A_213 = arith.constant 0 : index
      %swap3A_214 = arith.constant 26 : index
      %swap3A_215 = memref.load %arg6[%swap3A_213, %swap3A_214] : memref<1x48xi32, #tpu.memory_space<smem>>
      memref.store %scan3A_114#0, %arg6[%swap3A_213, %swap3A_214] : memref<1x48xi32, #tpu.memory_space<smem>>
      %swap3A_216 = arith.constant 0 : index
      %swap3A_217 = arith.constant 42 : index
      %swap3A_218 = memref.load %arg6[%swap3A_216, %swap3A_217] : memref<1x48xi32, #tpu.memory_space<smem>>
      memref.store %bitcast_convert_type3A_119, %arg6[%swap3A_216, %swap3A_217] : memref<1x48xi32, #tpu.memory_space<smem>>
      %swap3A_219 = arith.constant 0 : index
      %swap3A_220 = arith.constant 11 : index
      %swap3A_221 = memref.load %arg6[%swap3A_219, %swap3A_220] : memref<1x48xi32, #tpu.memory_space<smem>>
      memref.store %scan3A_96#0, %arg6[%swap3A_219, %swap3A_220] : memref<1x48xi32, #tpu.memory_space<smem>>
      %swap3A_222 = arith.constant 0 : index
      %swap3A_223 = arith.constant 27 : index
      %swap3A_224 = memref.load %arg6[%swap3A_222, %swap3A_223] : memref<1x48xi32, #tpu.memory_space<smem>>
      memref.store %scan3A_114#0, %arg6[%swap3A_222, %swap3A_223] : memref<1x48xi32, #tpu.memory_space<smem>>
      %swap3A_225 = arith.constant 0 : index
      %swap3A_226 = arith.constant 43 : index
      %swap3A_227 = memref.load %arg6[%swap3A_225, %swap3A_226] : memref<1x48xi32, #tpu.memory_space<smem>>
      memref.store %bitcast_convert_type3A_119, %arg6[%swap3A_225, %swap3A_226] : memref<1x48xi32, #tpu.memory_space<smem>>
      %swap3A_228 = arith.constant 0 : index
      %swap3A_229 = arith.constant 12 : index
      %swap3A_230 = memref.load %arg6[%swap3A_228, %swap3A_229] : memref<1x48xi32, #tpu.memory_space<smem>>
      memref.store %scan3A_96#0, %arg6[%swap3A_228, %swap3A_229] : memref<1x48xi32, #tpu.memory_space<smem>>
      %swap3A_231 = arith.constant 0 : index
      %swap3A_232 = arith.constant 28 : index
      %swap3A_233 = memref.load %arg6[%swap3A_231, %swap3A_232] : memref<1x48xi32, #tpu.memory_space<smem>>
      memref.store %scan3A_114#0, %arg6[%swap3A_231, %swap3A_232] : memref<1x48xi32, #tpu.memory_space<smem>>
      %swap3A_234 = arith.constant 0 : index
      %swap3A_235 = arith.constant 44 : index
      %swap3A_236 = memref.load %arg6[%swap3A_234, %swap3A_235] : memref<1x48xi32, #tpu.memory_space<smem>>
      memref.store %bitcast_convert_type3A_119, %arg6[%swap3A_234, %swap3A_235] : memref<1x48xi32, #tpu.memory_space<smem>>
      %swap3A_237 = arith.constant 0 : index
      %swap3A_238 = arith.constant 13 : index
      %swap3A_239 = memref.load %arg6[%swap3A_237, %swap3A_238] : memref<1x48xi32, #tpu.memory_space<smem>>
      memref.store %scan3A_96#0, %arg6[%swap3A_237, %swap3A_238] : memref<1x48xi32, #tpu.memory_space<smem>>
      %swap3A_240 = arith.constant 0 : index
      %swap3A_241 = arith.constant 29 : index
      %swap3A_242 = memref.load %arg6[%swap3A_240, %swap3A_241] : memref<1x48xi32, #tpu.memory_space<smem>>
      memref.store %scan3A_114#0, %arg6[%swap3A_240, %swap3A_241] : memref<1x48xi32, #tpu.memory_space<smem>>
      %swap3A_243 = arith.constant 0 : index
      %swap3A_244 = arith.constant 45 : index
      %swap3A_245 = memref.load %arg6[%swap3A_243, %swap3A_244] : memref<1x48xi32, #tpu.memory_space<smem>>
      memref.store %bitcast_convert_type3A_119, %arg6[%swap3A_243, %swap3A_244] : memref<1x48xi32, #tpu.memory_space<smem>>
      %swap3A_246 = arith.constant 0 : index
      %swap3A_247 = arith.constant 14 : index
      %swap3A_248 = memref.load %arg6[%swap3A_246, %swap3A_247] : memref<1x48xi32, #tpu.memory_space<smem>>
      memref.store %scan3A_96#0, %arg6[%swap3A_246, %swap3A_247] : memref<1x48xi32, #tpu.memory_space<smem>>
      %swap3A_249 = arith.constant 0 : index
      %swap3A_250 = arith.constant 30 : index
      %swap3A_251 = memref.load %arg6[%swap3A_249, %swap3A_250] : memref<1x48xi32, #tpu.memory_space<smem>>
      memref.store %scan3A_114#0, %arg6[%swap3A_249, %swap3A_250] : memref<1x48xi32, #tpu.memory_space<smem>>
      %swap3A_252 = arith.constant 0 : index
      %swap3A_253 = arith.constant 46 : index
      %swap3A_254 = memref.load %arg6[%swap3A_252, %swap3A_253] : memref<1x48xi32, #tpu.memory_space<smem>>
      memref.store %bitcast_convert_type3A_119, %arg6[%swap3A_252, %swap3A_253] : memref<1x48xi32, #tpu.memory_space<smem>>
      %swap3A_255 = arith.constant 0 : index
      %swap3A_256 = arith.constant 15 : index
      %swap3A_257 = memref.load %arg6[%swap3A_255, %swap3A_256] : memref<1x48xi32, #tpu.memory_space<smem>>
      memref.store %scan3A_96#0, %arg6[%swap3A_255, %swap3A_256] : memref<1x48xi32, #tpu.memory_space<smem>>
      %swap3A_258 = arith.constant 0 : index
      %swap3A_259 = arith.constant 31 : index
      %swap3A_260 = memref.load %arg6[%swap3A_258, %swap3A_259] : memref<1x48xi32, #tpu.memory_space<smem>>
      memref.store %scan3A_114#0, %arg6[%swap3A_258, %swap3A_259] : memref<1x48xi32, #tpu.memory_space<smem>>
      %swap3A_261 = arith.constant 0 : index
      %swap3A_262 = arith.constant 47 : index
      %swap3A_263 = memref.load %arg6[%swap3A_261, %swap3A_262] : memref<1x48xi32, #tpu.memory_space<smem>>
      memref.store %bitcast_convert_type3A_119, %arg6[%swap3A_261, %swap3A_262] : memref<1x48xi32, #tpu.memory_space<smem>>
    } else {
    }
    return
  }
  func.func @transform_0(%arg0: i32) -> (i32, i32) {
    %c0_i32 = arith.constant 0 : i32
    %c0_i32_0 = arith.constant 0 : i32
    return %arg0, %c0_i32 : i32, i32
  }
  func.func @transform_1(%arg0: i32) -> (i32, i32) {
    %c0_i32 = arith.constant 0 : i32
    %c0_i32_0 = arith.constant 0 : i32
    return %c0_i32, %arg0 : i32, i32
  }
  func.func @transform_2(%arg0: i32) -> (i32, i32) {
    %c0_i32 = arith.constant 0 : i32
    %c0_i32_0 = arith.constant 0 : i32
    %c0_i32_1 = arith.constant 0 : i32
    return %c0_i32, %c0_i32_0 : i32, i32
  }
  func.func @transform_3(%arg0: i32) -> (i32, i32) {
    %c0_i32 = arith.constant 0 : i32
    %c0_i32_0 = arith.constant 0 : i32
    %c0_i32_1 = arith.constant 0 : i32
    return %c0_i32, %c0_i32_0 : i32, i32
  }
  func.func @transform_4(%arg0: i32) -> (i32, i32) {
    %c0_i32 = arith.constant 0 : i32
    %c0_i32_0 = arith.constant 0 : i32
    %c0_i32_1 = arith.constant 0 : i32
    return %c0_i32, %c0_i32_0 : i32, i32
  }
  func.func @transform_5(%arg0: i32) -> (i32, i32) {
    %c0_i32 = arith.constant 0 : i32
    %c0_i32_0 = arith.constant 0 : i32
    %c0_i32_1 = arith.constant 0 : i32
    return %c0_i32, %c0_i32_0 : i32, i32
  }
}

</mosaic_0001>

<sc_bundles>
// kernel: kernel.4.cloned.1.call-start
scs
__scs_entry_jumppad:
0x0: {  	(pc) =	sbr.rel $0x88, $3  }
0x1: {  	(tag) =	ssettag $0x0;
	lr =	simm.s32 $0x1  }
0x2: {  	[smem:$0x3F9E] =	sst lr;
	_ =	strace $0xD0000000  }
0x3: {  	_ = 	snop  }
0x4: {  	_ = 	snop  }
0x5: {  	_ = 	snop  }
0x6: {  	_ = 	snop  }
0x7: {  	_ = 	snop  }
__scs_overlays_trampoline_lowered:
0x8: {  	[smem:$0x3FAD] =	sst s0  }
0x9: {  	[smem:$0x3FAE] =	sst s1  }
0xa: {  	[smem:$0x3FAF] =	sst s2  }
0xb: {  	[smem:$0x3FB0] =	sst s3  }
0xc: {  	[smem:$0x3FB1] =	sst s4  }
0xd: {  	[smem:$0x3FB2] =	sst s5  }
0xe: {  	[smem:$0x3FB3] =	sst s6  }
0xf: {  	[smem:$0x3FB4] =	sst s7  }
0x10: {  	[smem:$0x3FB5] =	sst s8  }
0x11: {  	[smem:$0x3FB6] =	sst s9;
	s0 =	simm.s32 @!p0 $0x0  }
0x12: {  	s1 =	sld [smem:$0x3F9C];
	s0 =	simm.s32 @p0 $0x1  }
0x13: {  	[smem:$0x3FB7] =	sst s0;
	s0 =	simm.s32 @!p1 $0x0  }
0x14: {  	s2 =	sld [smem:$0x3F9B];
	s0 =	simm.s32 @p1 $0x1  }
0x15: {  	[smem:$0x3FB8] =	sst s0;
	s0 =	simm.s32 @!p2 $0x0  }
0x16: {  	s3 =	sld [smem:$0x3FDB];
	s0 =	simm.s32 @p2 $0x1  }
0x17: {  	s4 =	simm.s32 $0x1BF5;
	[smem:$0x3FBA] =	sst s0  }
0x18: {  	s0 =	sld [smem:$0x3F9D];
	_ =	swait.ge [sflag:s4], $0x0  }
0x19: {  	s7 =	sld [smem:$0x3F9E]  }
0x1a: {  	s8 =	sadd.s32 $0xFFFFE003, lr  }
0x1b: {  	s9 =	sadd.s32 $0xFFFFFEF7, lr;
	s5 =	simm.s32 $0xFFFFFFFF;
	p2 =	slt.u32 s8, $0xFFFFF086  }
0x1c: {  	p1 =	slt.u32 s9, $0xF7A;
	s5 =	simm.s32 @!p2 $0x0  }
0x1d: {  	s5 =	simm.s32 @p1 $0x1;
	p0 =	seq.s32 s7, s2  }
0x1e: {  	s7 =	smul.u32 @!p0 $0xF7A, s2;
	p2 =	seq.s32 @!p0 s5, $0x0  }
0x1f: {  	s9 =	smul.u32 $0xF7A, s1;
	s8 =	simm.s32 @!p0 $0x1BF5;
	p2 =	por !p2, p0  }
0x20: {  	[sflag:s8] =	ssyncset.s32 @!p0 $0xFFFFF086;
	s6 =	sadd.s32 @!p0 s3, s7;
	s7 =	simm.s32 @!p0 $0x108  }
0x21: {  	s3 =	sadd.s32 s3, s9;
	s6 =	sadd.s32 @!p0 $0x88, s6;
	s7 =	simm.s32 @p2 $0x1082  }
0x22: {  	[simem:s7], [sflag:s8] =	dma.local @!p0 [hbm:s6], $0xF7A  }
0x23: {  	s9 =	sor.u32 $0xD0000000, s2;
	s6 =	simm.s32 $0x108;
	_ =	swait.ge @!p0 [sflag:s8], $0x0  }
0x24: {  	s3 =	sadd.s32 $0x88, s3;
	s6 =	simm.s32 @!p1 $0x1082;
	[sflag:s4] =	ssyncset.s32 $0xFFFFF086  }
0x25: {  	[simem:s6], [sflag:s4] =	dma.local [hbm:s3], $0xF7A  }
0x26: {  	[smem:$0x3F9E] =	sst s1;
	(tag) =	ssettag s2;
	_ =	strace s9  }
0x27: {  	s1 =	sld [smem:$0x3FAE]  }
0x28: {  	s2 =	sld [smem:$0x3FAF]  }
0x29: {  	s4 =	sld [smem:$0x3FB1]  }
0x2a: {  	p0 =	seq.s32 s5, $0x0;
	s5 =	sld [smem:$0x3FB2]  }
0x2b: {  	s6 =	sld [smem:$0x3FB3]  }
0x2c: {  	s7 =	sld [smem:$0x3FB4]  }
0x2d: {  	s3 =	simm.s32 $0x108;
	s8 =	sld [smem:$0x3FB5]  }
0x2e: {  	s3 =	simm.s32 @!p0 $0x1082;
	s9 =	sld [smem:$0x3FB6]  }
0x2f: {  	lr =	sadd.s32 s0, s3;
	s0 =	sld [smem:$0x3FAD]  }
0x30: {  	s3 =	sld [smem:$0x3FB0]  }
0x31: {  	[smem:$0x3FB9] =	sst s10  }
0x32: {  	s10 =	sld [smem:$0x3FB7];
	_ =	sdelay $0x3  }
0x33: {  	p0 =	seq.s32 s10, $0x1;
	s10 =	sld [smem:$0x3FB9];
	_ =	sdelay $0x3  }
0x34: {  	[smem:$0x3FB9] =	sst s10  }
0x35: {  	s10 =	sld [smem:$0x3FB8];
	_ =	sdelay $0x3  }
0x36: {  	p1 =	seq.s32 s10, $0x1;
	s10 =	sld [smem:$0x3FB9];
	_ =	sdelay $0x3  }
0x37: {  	[smem:$0x3FB9] =	sst s10  }
0x38: {  	s10 =	sld [smem:$0x3FBA]  }
0x39: {  	_ = 	snop;
	(pc) =	sbr.ind lr, $3  }
0x3a: {  	_ = 	snop  }
0x3b: {  	_ = 	snop  }
0x3c: {  	p2 =	seq.s32 s10, $0x1;
	s10 =	sld [smem:$0x3FB9]  }
0x3d: {  	_ =	shalt  }
0x3e: {  	_ =	shalt  }
0x3f: {  	_ =	shalt  }
0x40: {  	_ =	shalt  }
0x41: {  	_ =	shalt  }
0x42: {  	_ =	shalt  }
0x43: {  	_ =	shalt  }
0x44: {  	_ =	shalt  }
0x45: {  	_ =	shalt  }
0x46: {  	_ =	shalt  }
0x47: {  	_ =	shalt  }
0x48: {  	_ =	shalt  }
0x49: {  	_ =	shalt  }
0x4a: {  	_ =	shalt  }
0x4b: {  	_ =	shalt  }
0x4c: {  	_ =	shalt  }
0x4d: {  	_ =	shalt  }
0x4e: {  	_ =	shalt  }
0x4f: {  	_ =	shalt  }
0x50: {  	_ =	shalt  }
0x51: {  	_ =	shalt  }
0x52: {  	_ =	shalt  }
0x53: {  	_ =	shalt  }
0x54: {  	_ =	shalt  }
0x55: {  	_ =	shalt  }
0x56: {  	_ =	shalt  }
0x57: {  	_ =	shalt  }
0x58: {  	_ =	shalt  }
0x59: {  	_ =	shalt  }
0x5a: {  	_ =	shalt  }
0x5b: {  	_ =	shalt  }
0x5c: {  	_ =	shalt  }
0x5d: {  	_ =	shalt  }
0x5e: {  	_ =	shalt  }
0x5f: {  	_ =	shalt  }
0x60: {  	_ =	shalt  }
0x61: {  	_ =	shalt  }
0x62: {  	_ =	shalt  }
0x63: {  	_ =	shalt  }
0x64: {  	_ =	shalt  }
0x65: {  	_ =	shalt  }
0x66: {  	_ =	shalt  }
0x67: {  	_ =	shalt  }
0x68: {  	_ =	shalt  }
0x69: {  	_ =	shalt  }
0x6a: {  	_ =	shalt  }
0x6b: {  	_ =	shalt  }
0x6c: {  	_ =	shalt  }
0x6d: {  	_ =	shalt  }
0x6e: {  	_ =	shalt  }
0x6f: {  	_ =	shalt  }
0x70: {  	_ =	shalt  }
0x71: {  	_ =	shalt  }
0x72: {  	_ =	shalt  }
0x73: {  	_ =	shalt  }
0x74: {  	_ =	shalt  }
0x75: {  	_ =	shalt  }
0x76: {  	_ =	shalt  }
0x77: {  	_ =	shalt  }
0x78: {  	_ =	shalt  }
0x79: {  	_ =	shalt  }
0x7a: {  	_ =	shalt  }
0x7b: {  	_ =	shalt  }
0x7c: {  	_ =	shalt  }
0x7d: {  	_ =	shalt  }
0x7e: {  	_ =	shalt  }
0x7f: {  	_ =	shalt  }
0x80: {  	_ =	shalt  }
0x81: {  	_ =	shalt  }
0x82: {  	_ =	shalt  }
0x83: {  	_ =	shalt  }
0x84: {  	_ =	shalt  }
0x85: {  	_ =	shalt  }
0x86: {  	_ =	shalt  }
0x87: {  	_ =	shalt  }
.Lfunc_end0:
.L_simem_size_0:
called_computation_lowered:
.L_overlay_start_0:
0x88: {  	s2 =	sld [smem:$0x3FD9]  }
0x89: {  	s3 =	sld [smem:$0x3FFE];
	_ =	sdelay $0x1  }
0x8a: {  	s1 =	srdreg.scid  }
0x8b: {  	s0 =	sand.u32 $0x1, s1  }
0x8c: {  	s17 =	sshll.u32 s0, $0xA;
	s2 =	sadd.s32 s3, s2  }
0x8d: {  	s2 =	sadd.s32 s2, s17  }
0x8e: {  	[smem:$0x3FC5] =	sst s2  }
0x8f: {  	_ = 	snop  }
0x90: {  	s2 =	sld [smem:$0x3FD0];
	(tm) =	ssettm $0x1  }
0x91: {  	s18 =	sld [smem:$0x3FFB];
	_ =	sdelay $0x3  }
0x92: {  	_ =	strace s18  }
0x93: {  	s3 =	sld [smem:$0x3FFC];
	_ =	sdelay $0x3  }
0x94: {  	_ =	strace s3  }
0x95: {  	s3 =	sld [smem:$0x3FFD];
	_ =	sdelay $0x3  }
0x96: {  	_ =	strace s3  }
0x97: {  	_ =	strace $0x8FFFFFFF  }
0x98: {  	s19 =	sld [smem:$0x3FDB];
	_ =	sdelay $0x1  }
0x99: {  	s4 =	simm.s32 $_scs_section_size  }
0x9a: {  	s5 =	simm.s32 $_size__tile_overlayer_lowered;
	s6 =	simm.s32 $_tile_overlayer_lowered  }
0x9b: {  	s22 =	simm.s32 $0x1BFF;
	s21 =	sshll.u32 s6, $0x1;
	s3 =	sadd.s32 s4, s19  }
0x9c: {  	s7 =	simm.s32 $0x0;
	s20 =	sshll.u32 s5, $0x1;
	s5 =	sadd.s32 s21, s3  }
0x9d: {  	[timem:s7], [sflag:s22] =	dma.local [hbm:s5], s20  }
0x9e: {  	_ =	swait.ge [sflag:s22], s20  }
0x9f: {  	s4 =	ssub.s32 $0x0, s20;
	[sflag:s22] =	ssyncset.done $0x0  }
0xa0: {  	[sflag:s22] =	ssyncadd.s32 s4;
	_ =	sdelay $0x1  }
0xa1: {  	s23 =	simm.s32 $0x1B8B  }
0xa2: {  	_ =	swait.ge [sflag:s23], $0x1  }
0xa3: {  	[sflag:s23] =	ssyncset.done $0x0  }
0xa4: {  	s25 =	simm.s32 $0x1B8E;
	s24 =	sld [smem:$0x3FFE];
	[sflag:s23] =	ssyncadd.s32 $0xFFFFFFFF  }
0xa5: {  	s26 =	simm.s32 $execute0_lowered;
	[smem:$0x3FD2] =	sst s25  }
0xa6: {  	s5 =	sshll.u32 s26, $0x1;
	_ =	strace $0x80000046;
	[dreg:$0x1] =	wrdreg $0xFFFFFFFF  }
0xa7: {  	s28 =	simm.s32 $_size_execute0_lowered;
	s3 =	sadd.s32 s3, s5;
	[dreg:$0x0] =	wrdreg $0x0  }
0xa8: {  	s5 =	sshll.u32 s28, $0x1;
	[dreg:$0x2] =	wrdreg s3  }
0xa9: {  	[dreg:$0x3] =	wrdreg s5  }
0xaa: {  	[dreg:$0x4] =	wrdreg $0xC0  }
0xab: {  	_ =	task [dreg:s7], $0x5FFFF  }
0xac: {  	[dreg:$0x1] =	wrdreg $0xFFFFFFFF  }
0xad: {  	[dreg:$0x0] =	wrdreg $0x60  }
0xae: {  	[dreg:$0x2] =	wrdreg s24  }
0xaf: {  	[dreg:$0x3] =	wrdreg s2  }
0xb0: {  	[dreg:$0x4] =	wrdreg $0xA000  }
0xb1: {  	[dreg:$0x5] =	wrdreg $0x9  }
0xb2: {  	_ =	task.clear_ibuf [dreg:s7], $0x6FFFF;
	_ =	strace $0x90000046  }
0xb3: {  	s29 =	simm.s32 $0x9;
	_ =	strace $0x80000048  }
0xb4: {  	_ =	swait.ge [sflag:s29], $0x1  }
0xb5: {  	[sflag:s29] =	ssyncadd.s32 $0xFFFFFFFF  }
0xb6: {  	_ =	strace $0x90000048  }
0xb7: {  	_ =	sfence  }
0xb8: {  	s30 =	sld [smem:$0x0];
	_ =	sdelay $0x2  }
0xb9: {  	s31 =	sshll.u32 s1, $0xD;
	s1 =	sshrl.u32 s1, $0x2  }
0xba: {  	s3 =	sand.u32 $0x4000, s31;
	s1 =	sadd.s32 s1, s30  }
0xbb: {  	s0 =	sor.u32 s3, s0;
	s1 =	sshll.u32 s1, $0x11  }
0xbc: {  	s0 =	sor.u32 s1, s0  }
0xbd: {  	s0 =	sadd.s32 $0x8F2B, s0  }
0xbe: {  	[sflag:s0] =	ssyncadd.remote.s32 $0x1  }
0xbf: {  	_ =	sfence.sel $0xFFFF  }
0xc0: {  	[dreg:$0x0] =	wrdreg $0xFFFFFFFF;
	(pc) =	sbr.abs _section_cstart, $3  }
0xc1: {  	[dreg:$0x1] =	wrdreg $0xFFFFFFFF  }
0xc2: {  	_ =	task.clear_ibuf [dreg:s7], $0x2FFFF;
	_ =	strace $0x9FFFFFFF  }
0xc3: {  	(tm) =	ssettm $0x7FFFFFFF  }
tec
execute0_lowered:
.L_overlay_start_1:
0x0: {  	(tag) =	ssettag $0x1  }
0x1: {  	s5 =	rddreg [dreg:$0x0]  }
0x2: {  	s1 =	rddreg [dreg:$0x1]  }
0x3: {  	s2 =	rddreg [dreg:$0x2];
	s3 =	srdreg.scid  }
0x4: {  	s0 =	rddreg [dreg:$0x3];
	s4 =	simm.s32 $0x0;
	s9 =	sand.u32 $0x1, s3  }
0x5: {  	[smem:$0x7FF] =	sst s4;
	s3 =	stileid.u32;
	s6 =	ssub.s32 $0x2, s9  }
0x6: {  	_ =	strace $0x80000047;
	s7 =	sshll.u32 s3, $0x7;
	s8 =	sshrl.u32 s6, $0x1  }
0x7: {  	s7 =	sadd.s32 s7, s5;
	s5 =	sadd.s32 $0x2200, s5;
	s10 =	ssub.s32 s6, s8  }
0x8: {  	s8 =	sshll.u32 s3, $0xA;
	s6 =	sadd.s32 $0x1200, s7;
	s7 =	sadd.s32 $0x1A00, s7  }
0x9: {  	s11 =	sor.u32 $0x10, s8;
	s12 =	sor.u32 $0x20, s8;
	s13 =	sor.u32 $0x30, s8  }
0xa: {  	v0 =	vlaneseq.u32;
	s14 =	sor.u32 $0x40, s8;
	s15 =	sor.u32 $0x50, s8;
	s16 =	sor.u32 $0x60, s8  }
0xb: {  	s24 =	sor.u32 $0x70, s8;
	s17 =	sor.u32 $0x80, s8;
	s18 =	sor.u32 $0x90, s8;
	v57 =	vor.u32 s8, v0  }
0xc: {  	s25 =	sor.u32 $0xA0, s8;
	s26 =	sor.u32 $0xB0, s8;
	s28 =	sor.u32 $0xC0, s8;
	v1 =	vor.u32 s11, v0;
	v58 =	vor.u32 s12, v0;
	v59 =	vor.u32 s13, v0  }
0xd: {  	s29 =	sor.u32 $0xD0, s8;
	s30 =	sor.u32 $0xE0, s8;
	s31 =	sor.u32 $0xF0, s8;
	v60 =	vor.u32 s14, v0;
	v61 =	vor.u32 s15, v0;
	v62 =	vor.u32 s16, v0  }
0xe: {  	s19 =	sor.u32 $0x100, s8;
	s20 =	sor.u32 $0x110, s8;
	s21 =	sor.u32 $0x120, s8;
	v63 =	vor.u32 s24, v0;
	v7 =	vor.u32 s17, v0;
	v8 =	vor.u32 s18, v0  }
0xf: {  	s22 =	sor.u32 $0x130, s8;
	s23 =	sor.u32 $0x140, s8;
	v9 =	vor.u32 s25, v0;
	v10 =	vor.u32 s26, v0;
	v11 =	vor.u32 s28, v0;
	s24 =	sor.u32 $0x150, s8  }
0x10: {  	v12 =	vor.u32 s29, v0;
	v13 =	vor.u32 s30, v0;
	v14 =	vor.u32 s31, v0;
	s25 =	sor.u32 $0x160, s8;
	s26 =	sor.u32 $0x170, s8;
	s28 =	sor.u32 $0x180, s8  }
0x11: {  	v15 =	vor.u32 s19, v0;
	v16 =	vor.u32 s20, v0;
	v17 =	vor.u32 s21, v0;
	s29 =	sor.u32 $0x190, s8;
	s30 =	sor.u32 $0x1A0, s8;
	s31 =	sor.u32 $0x1B0, s8  }
0x12: {  	v18 =	vor.u32 s22, v0;
	v19 =	vor.u32 s23, v0;
	s19 =	sor.u32 $0x1C0, s8;
	s20 =	sor.u32 $0x1D0, s8;
	s21 =	sor.u32 $0x1E0, s8;
	v20 =	vor.u32 s24, v0  }
0x13: {  	s22 =	sor.u32 $0x1F0, s8;
	s23 =	sor.u32 $0x200, s8;
	s17 =	sor.u32 $0x340, s8;
	v21 =	vor.u32 s25, v0;
	v22 =	vor.u32 s26, v0;
	v23 =	vor.u32 s28, v0  }
0x14: {  	s18 =	sor.u32 $0x350, s8;
	s11 =	simm.s32 $0x400;
	s12 =	simm.s32 $0x800;
	v24 =	vor.u32 s29, v0;
	v25 =	vor.u32 s30, v0;
	v26 =	vor.u32 s31, v0  }
0x15: {  	s13 =	simm.s32 $0x880;
	s24 =	sor.u32 $0x210, s8;
	v27 =	vor.u32 s19, v0;
	s25 =	sor.u32 $0x220, s8;
	v28 =	vor.u32 s20, v0;
	v29 =	vor.u32 s21, v0  }
0x16: {  	s26 =	sor.u32 $0x230, s8;
	s28 =	sor.u32 $0x240, s8;
	v30 =	vor.u32 s22, v0;
	s29 =	sor.u32 $0x250, s8;
	v31 =	vor.u32 s23, v0;
	v51 =	vor.u32 s17, v0  }
0x17: {  	s30 =	sor.u32 $0x260, s8;
	s31 =	sor.u32 $0x270, s8;
	s19 =	sor.u32 $0x280, s8;
	v52 =	vor.u32 s18, v0;
	v32 =	vor.u32 s24, v0;
	v33 =	vor.u32 s25, v0  }
0x18: {  	s20 =	sor.u32 $0x290, s8;
	s21 =	sor.u32 $0x2A0, s8;
	s22 =	sor.u32 $0x2B0, s8;
	v34 =	vor.u32 s26, v0;
	v35 =	vor.u32 s28, v0;
	v36 =	vor.u32 s29, v0  }
0x19: {  	s23 =	sor.u32 $0x2C0, s8;
	s24 =	sor.u32 $0x2D0, s8;
	v37 =	vor.u32 s30, v0;
	v38 =	vor.u32 s31, v0;
	v39 =	vor.u32 s19, v0;
	s25 =	sor.u32 $0x2E0, s8  }
0x1a: {  	[tilespmem:$0x1FF90] =	vst v1;
	s26 =	sor.u32 $0x2F0, s8;
	s28 =	sor.u32 $0x300, s8;
	v40 =	vor.u32 s20, v0;
	v41 =	vor.u32 s21, v0;
	v42 =	vor.u32 s22, v0;
	s29 =	sor.u32 $0x310, s8  }
0x1b: {  	[tilespmem:$0x1FFA0] =	vst v58;
	s30 =	sor.u32 $0x320, s8;
	s31 =	sor.u32 $0x330, s8;
	v43 =	vor.u32 s23, v0;
	s19 =	sor.u32 $0x360, s8;
	v44 =	vor.u32 s24, v0;
	v45 =	vor.u32 s25, v0  }
0x1c: {  	[tilespmem:$0x1FFB0] =	vst v59;
	s20 =	sor.u32 $0x370, s8;
	s21 =	sor.u32 $0x380, s8;
	s22 =	sor.u32 $0x390, s8;
	v46 =	vor.u32 s26, v0;
	v47 =	vor.u32 s28, v0;
	v48 =	vor.u32 s29, v0  }
0x1d: {  	[tilespmem:$0x1FFC0] =	vst v60;
	s23 =	sor.u32 $0x3A0, s8;
	v49 =	vor.u32 s30, v0;
	v50 =	vor.u32 s31, v0;
	s24 =	sor.u32 $0x3B0, s8;
	s25 =	sor.u32 $0x3C0, s8;
	v53 =	vor.u32 s19, v0  }
0x1e: {  	[tilespmem:$0x1FFD0] =	vst v61;
	v54 =	vor.u32 s20, v0;
	s26 =	sor.u32 $0x3D0, s8;
	s28 =	sor.u32 $0x3E0, s8;
	s29 =	sshll.u32 s3, $0x4;
	v55 =	vor.u32 s21, v0;
	v56 =	vor.u32 s22, v0  }
0x1f: {  	[tilespmem:$0x1FFE0] =	vst v62;
	s30 =	sor.u32 $0x3F0, s8;
	s31 =	sor.u32 s9, s3;
	v58 =	vor.u32 s23, v0;
	s9 =	smax.u32 s10, $0x1;
	v59 =	vor.u32 s24, v0;
	v60 =	vor.u32 s25, v0  }
0x20: {  	[tilespmem:$0x1FFF0] =	vst v63;
	s10 =	simm.s32 $0x1;
	s8 =	sadd.s32 s29, s2;
	p0 =	sne.s32 s31, $0x0;
	v61 =	vor.u32 s26, v0;
	v62 =	vor.u32 s28, v0;
	v63 =	vor.u32 s30, v0  }
.LBB2_1:
0x21: {  	[tilespmem:s4], [sflag:$0x1] =	stream.linear.gather [hbm4b:s6+s4], $0x400, $0x38;
	[tilespmem:$0xA10] =	vst v63  }
0x22: {  	_ =	swait.ge [sflag:s10], $0x400  }
0x23: {  	[sflag:s10] =	ssyncset.done $0x0  }
0x24: {  	[sflag:s10] =	ssyncadd.s32 $0xFFFFFC00  }
0x25: {  	[tilespmem:s11], [sflag:$0x1] =	stream.linear.gather [hbm4b:s7+s4], $0x400, $0x38;
	[tilespmem:$0xA10] =	vst v63  }
0x26: {  	_ =	swait.ge [sflag:s10], $0x400  }
0x27: {  	[sflag:s10] =	ssyncset.done $0x0  }
0x28: {  	[sflag:s10] =	ssyncadd.s32 $0xFFFFFC00  }
0x29: {  	[tilespmem:s12], [sflag:$0x1] =	stream.linear.gather [hbm4b:s5+s4], $0x80, $0x38;
	[tilespmem:$0xA10] =	vst v63  }
0x2a: {  	_ =	swait.ge [sflag:s10], $0x80  }
0x2b: {  	[sflag:s10] =	ssyncset.done $0x0  }
0x2c: {  	[sflag:s10] =	ssyncadd.s32 $0xFFFFFF80  }
0x2d: {  	v1 =	vld [tilespmem:$0x800]  }
0x2e: {  	v4 =	vld [tilespmem:$0x10];
	_ =	sdelay $0x2  }
0x2f: {  	v5 =	vld [tilespmem:$0x20]  }
0x30: {  	v0 =	vld [tilespmem:$0x810]  }
0x31: {  	vm8 =	veq.s32 v4, $0x7FFFFFFF;
	vm3 =	vlt.s32 v4, v1;
	vm4 =	veq.s32 v4, v1;
	v4 =	vld [tilespmem:$0x1FF90];
	_ =	sdelay $0x1  }
0x32: {  	v2 =	vld [tilespmem:$0x0]  }
0x33: {  	vm12 =	veq.s32 v5, $0x7FFFFFFF;
	vm13 =	vlt.s32 v5, v1;
	vm14 =	veq.s32 v5, v1;
	v5 =	vld [tilespmem:$0x1FFA0]  }
0x34: {  	v3 =	vld [tilespmem:$0x400]  }
0x35: {  	vm5 =	vlt.s32 v4, v0;
	v4 =	vld [tilespmem:$0x30];
	_ =	sdelay $0x1  }
0x36: {  	vm0 =	veq.s32 v2, $0x7FFFFFFF;
	vm1 =	vlt.s32 v2, v1  }
0x37: {  	vm9 =	vmor vm8, vm3;
	vm15 =	vlt.s32 v5, v0;
	v5 =	vld [tilespmem:$0x40];
	vm10 =	vmand vm5, vm4  }
0x38: {  	vm7 =	veq.s32 v2, v1;
	v2 =	vadd.f32 $0.0e+00, v3;
	v3 =	vld [tilespmem:$0x410];
	vm11 =	vmor vm9, vm10  }
0x39: {  	vm8 =	veq.s32 v4, $0x7FFFFFFF;
	vm9 =	vlt.s32 v4, v1;
	vm10 =	veq.s32 v4, v1;
	v4 =	vld [tilespmem:$0x1FFB0]  }
0x3a: {  	vm2 =	vlt.s32 v57, v0  }
0x3b: {  	vm0 =	vmor vm0, vm1;
	vm1 =	vmand vm2, vm7  }
0x3c: {  	v6 =	vld [tilespmem:$0x420];
	vm6 =	vmor vm12, vm13;
	vm7 =	vmand vm15, vm14;
	vm14 =	veq.s32 v5, $0x7FFFFFFF  }
0x3d: {  	vm15 =	vlt.s32 v5, v1;
	vm12 =	vmor vm8, vm9;
	vm8 =	veq.s32 v5, v1;
	v5 =	vld [tilespmem:$0x1FFC0]  }
0x3e: {  	v3 =	vnsel vm11, $0x0, v3;
	vm11 =	vlt.s32 v4, v0;
	v4 =	vld [tilespmem:$0x50]  }
0x3f: {  	vm0 =	vmor vm0, vm1  }
0x40: {  	v2 =	vnsel vm0, $0x0, v2;
	vm0 =	vmor vm6, vm7  }
0x41: {  	v6 =	vnsel vm0, $0x0, v6;
	v2 =	vadd.f32 v3, v2;
	v3 =	vld [tilespmem:$0x430];
	vm13 =	vmand vm11, vm10  }
0x42: {  	vm9 =	vlt.s32 v5, v0;
	v5 =	vld [tilespmem:$0x60];
	vm10 =	vmor vm14, vm15;
	vm0 =	vmor vm12, vm13  }
0x43: {  	vm12 =	veq.s32 v4, $0x7FFFFFFF;
	vm13 =	vlt.s32 v4, v1;
	vm14 =	veq.s32 v4, v1;
	v4 =	vld [tilespmem:$0x1FFD0];
	_ =	sdelay $0x1  }
0x44: {  	v2 =	vadd.f32 v6, v2;
	v6 =	vld [tilespmem:$0x440];
	vm11 =	vmand vm9, vm8  }
0x45: {  	v3 =	vnsel vm0, $0x0, v3;
	vm0 =	vmor vm10, vm11  }
0x46: {  	vm8 =	veq.s32 v5, $0x7FFFFFFF;
	vm9 =	vlt.s32 v5, v1;
	vm10 =	veq.s32 v5, v1;
	v5 =	vld [tilespmem:$0x1FFE0]  }
0x47: {  	vm15 =	vlt.s32 v4, v0;
	v4 =	vld [tilespmem:$0x70]  }
0x48: {  	v2 =	vadd.f32 v3, v2  }
0x49: {  	v3 =	vld [tilespmem:$0x450];
	v6 =	vnsel vm0, $0x0, v6  }
0x4a: {  	vm6 =	vmor vm12, vm13;
	v2 =	vadd.f32 v6, v2;
	v6 =	vld [tilespmem:$0x460]  }
0x4b: {  	vm12 =	vmor vm8, vm9;
	vm7 =	vmand vm15, vm14;
	vm11 =	vlt.s32 v5, v0;
	v5 =	vld [tilespmem:$0x80]  }
0x4c: {  	vm14 =	veq.s32 v4, $0x7FFFFFFF;
	vm15 =	vlt.s32 v4, v1;
	vm8 =	veq.s32 v4, v1;
	v4 =	vld [tilespmem:$0x1FFF0]  }
0x4d: {  	vm0 =	vmor vm6, vm7;
	vm13 =	vmand vm11, vm10  }
0x4e: {  	v3 =	vnsel vm0, $0x0, v3;
	vm0 =	vmor vm12, vm13  }
0x4f: {  	v2 =	vadd.f32 v3, v2;
	v3 =	vld [tilespmem:$0x470];
	v6 =	vnsel vm0, $0x0, v6;
	vm10 =	vmor vm14, vm15  }
0x50: {  	vm12 =	veq.s32 v5, $0x7FFFFFFF;
	vm13 =	vlt.s32 v5, v1;
	vm14 =	veq.s32 v5, v1;
	v5 =	vld [tilespmem:$0xA0]  }
0x51: {  	v2 =	vadd.f32 v6, v2;
	v6 =	vld [tilespmem:$0x480];
	vm9 =	vlt.s32 v4, v0  }
0x52: {  	v4 =	vld [tilespmem:$0x90];
	vm11 =	vmand vm9, vm8  }
0x53: {  	vm15 =	vlt.s32 v7, v0;
	vm0 =	vmor vm10, vm11  }
0x54: {  	vm6 =	vmor vm12, vm13;
	vm7 =	vmand vm15, vm14;
	v3 =	vnsel vm0, $0x0, v3  }
0x55: {  	vm14 =	veq.s32 v5, $0x7FFFFFFF;
	vm0 =	vmor vm6, vm7;
	v2 =	vadd.f32 v3, v2;
	v3 =	vld [tilespmem:$0x490]  }
0x56: {  	vm15 =	vlt.s32 v5, v1;
	vm11 =	vlt.s32 v8, v0;
	v6 =	vnsel vm0, $0x0, v6  }
0x57: {  	vm8 =	veq.s32 v4, $0x7FFFFFFF;
	vm9 =	vlt.s32 v4, v1;
	vm10 =	veq.s32 v4, v1;
	v4 =	vld [tilespmem:$0xB0]  }
0x58: {  	vm12 =	vmor vm8, vm9;
	vm13 =	vmand vm11, vm10;
	v2 =	vadd.f32 v6, v2;
	v6 =	vld [tilespmem:$0x4A0]  }
0x59: {  	vm8 =	veq.s32 v5, v1;
	vm9 =	vlt.s32 v9, v0;
	v5 =	vld [tilespmem:$0xC0];
	vm0 =	vmor vm12, vm13  }
0x5a: {  	vm10 =	vmor vm14, vm15;
	vm11 =	vmand vm9, vm8;
	v3 =	vnsel vm0, $0x0, v3  }
0x5b: {  	vm15 =	vlt.s32 v10, v0;
	vm0 =	vmor vm10, vm11;
	v2 =	vadd.f32 v3, v2;
	v3 =	vld [tilespmem:$0x4B0]  }
0x5c: {  	vm12 =	veq.s32 v4, $0x7FFFFFFF;
	vm13 =	vlt.s32 v4, v1;
	vm14 =	veq.s32 v4, v1;
	v4 =	vld [tilespmem:$0xD0]  }
0x5d: {  	v6 =	vnsel vm0, $0x0, v6;
	vm6 =	vmor vm12, vm13;
	vm7 =	vmand vm15, vm14  }
0x5e: {  	vm8 =	veq.s32 v5, $0x7FFFFFFF;
	vm9 =	vlt.s32 v5, v1;
	vm10 =	veq.s32 v5, v1;
	v5 =	vld [tilespmem:$0xE0]  }
0x5f: {  	vm11 =	vlt.s32 v11, v0;
	v2 =	vadd.f32 v6, v2;
	vm0 =	vmor vm6, vm7;
	v6 =	vld [tilespmem:$0x4C0]  }
0x60: {  	vm12 =	vmor vm8, vm9;
	vm13 =	vmand vm11, vm10;
	v3 =	vnsel vm0, $0x0, v3  }
0x61: {  	vm14 =	veq.s32 v4, $0x7FFFFFFF;
	vm15 =	vlt.s32 v4, v1;
	vm8 =	veq.s32 v4, v1;
	v4 =	vld [tilespmem:$0xF0]  }
0x62: {  	vm9 =	vlt.s32 v12, v0;
	vm0 =	vmor vm12, vm13;
	v2 =	vadd.f32 v3, v2;
	v3 =	vld [tilespmem:$0x4D0]  }
0x63: {  	vm10 =	vmor vm14, vm15;
	vm11 =	vmand vm9, vm8;
	vm12 =	veq.s32 v5, $0x7FFFFFFF  }
0x64: {  	vm13 =	vlt.s32 v5, v1;
	vm14 =	veq.s32 v5, v1;
	v5 =	vld [tilespmem:$0x100];
	v6 =	vnsel vm0, $0x0, v6  }
0x65: {  	vm15 =	vlt.s32 v13, v0;
	vm0 =	vmor vm10, vm11;
	v2 =	vadd.f32 v6, v2;
	v6 =	vld [tilespmem:$0x4E0]  }
0x66: {  	vm6 =	vmor vm12, vm13;
	vm7 =	vmand vm15, vm14;
	vm8 =	veq.s32 v4, $0x7FFFFFFF  }
0x67: {  	vm9 =	vlt.s32 v4, v1;
	vm10 =	veq.s32 v4, v1;
	v4 =	vld [tilespmem:$0x110];
	v3 =	vnsel vm0, $0x0, v3  }
0x68: {  	vm11 =	vlt.s32 v14, v0;
	vm0 =	vmor vm6, vm7;
	v2 =	vadd.f32 v3, v2;
	v3 =	vld [tilespmem:$0x4F0]  }
0x69: {  	vm12 =	vmor vm8, vm9;
	vm13 =	vmand vm11, vm10;
	vm14 =	veq.s32 v5, $0x7FFFFFFF  }
0x6a: {  	vm15 =	vlt.s32 v5, v1;
	vm8 =	veq.s32 v5, v1;
	v5 =	vld [tilespmem:$0x120];
	v6 =	vnsel vm0, $0x0, v6  }
0x6b: {  	vm9 =	vlt.s32 v15, v0;
	vm10 =	vmor vm14, vm15;
	v2 =	vadd.f32 v6, v2;
	v6 =	vld [tilespmem:$0x500]  }
0x6c: {  	vm11 =	vmand vm9, vm8;
	vm0 =	vmor vm12, vm13;
	vm12 =	veq.s32 v4, $0x7FFFFFFF  }
0x6d: {  	vm13 =	vlt.s32 v4, v1;
	vm14 =	veq.s32 v4, v1;
	v4 =	vld [tilespmem:$0x130];
	v3 =	vnsel vm0, $0x0, v3  }
0x6e: {  	vm15 =	vlt.s32 v16, v0;
	vm6 =	vmor vm12, vm13;
	v2 =	vadd.f32 v3, v2;
	v3 =	vld [tilespmem:$0x510]  }
0x6f: {  	vm7 =	vmand vm15, vm14;
	vm8 =	veq.s32 v5, $0x7FFFFFFF;
	vm0 =	vmor vm10, vm11  }
0x70: {  	vm9 =	vlt.s32 v5, v1;
	vm10 =	veq.s32 v5, v1;
	v5 =	vld [tilespmem:$0x140];
	v6 =	vnsel vm0, $0x0, v6  }
0x71: {  	vm11 =	vlt.s32 v17, v0;
	vm12 =	vmor vm8, vm9;
	v2 =	vadd.f32 v6, v2;
	v6 =	vld [tilespmem:$0x520]  }
0x72: {  	vm9 =	vlt.s32 v18, v0;
	vm0 =	vmor vm6, vm7;
	vm14 =	veq.s32 v4, $0x7FFFFFFF  }
0x73: {  	vm15 =	vlt.s32 v4, v1;
	vm8 =	veq.s32 v4, v1;
	v4 =	vld [tilespmem:$0x150];
	v3 =	vnsel vm0, $0x0, v3  }
0x74: {  	vm13 =	vmand vm11, vm10;
	vm10 =	vmor vm14, vm15;
	v2 =	vadd.f32 v3, v2;
	v3 =	vld [tilespmem:$0x530]  }
0x75: {  	vm11 =	vmand vm9, vm8;
	vm14 =	veq.s32 v5, v1;
	vm0 =	vmor vm12, vm13  }
0x76: {  	vm12 =	veq.s32 v5, $0x7FFFFFFF;
	vm13 =	vlt.s32 v5, v1;
	v5 =	vld [tilespmem:$0x160];
	v6 =	vnsel vm0, $0x0, v6  }
0x77: {  	vm15 =	vlt.s32 v19, v0;
	vm0 =	vmor vm10, vm11;
	v2 =	vadd.f32 v6, v2;
	v6 =	vld [tilespmem:$0x540]  }
0x78: {  	vm8 =	veq.s32 v4, $0x7FFFFFFF;
	vm9 =	vlt.s32 v4, v1;
	vm10 =	veq.s32 v4, v1;
	v4 =	vld [tilespmem:$0x170]  }
0x79: {  	vm7 =	vmand vm15, vm14;
	vm6 =	vmor vm12, vm13;
	v3 =	vnsel vm0, $0x0, v3  }
0x7a: {  	vm11 =	vlt.s32 v20, v0;
	vm12 =	vmor vm8, vm9;
	v2 =	vadd.f32 v3, v2;
	v3 =	vld [tilespmem:$0x550]  }
0x7b: {  	vm13 =	vmand vm11, vm10;
	vm14 =	veq.s32 v5, $0x7FFFFFFF;
	vm0 =	vmor vm6, vm7  }
0x7c: {  	vm15 =	vlt.s32 v5, v1;
	vm8 =	veq.s32 v5, v1;
	v5 =	vld [tilespmem:$0x180];
	v6 =	vnsel vm0, $0x0, v6  }
0x7d: {  	vm10 =	vmor vm14, vm15;
	vm14 =	veq.s32 v4, v1;
	v2 =	vadd.f32 v6, v2;
	v6 =	vld [tilespmem:$0x560]  }
0x7e: {  	vm0 =	vmor vm12, vm13;
	vm12 =	veq.s32 v4, $0x7FFFFFFF;
	vm13 =	vlt.s32 v4, v1;
	v4 =	vld [tilespmem:$0x190]  }
0x7f: {  	vm9 =	vlt.s32 v21, v0;
	vm15 =	vlt.s32 v22, v0;
	v3 =	vnsel vm0, $0x0, v3  }
0x80: {  	vm11 =	vmand vm9, vm8;
	vm7 =	vmand vm15, vm14;
	v2 =	vadd.f32 v3, v2;
	v3 =	vld [tilespmem:$0x570]  }
0x81: {  	vm6 =	vmor vm12, vm13;
	vm8 =	veq.s32 v5, $0x7FFFFFFF;
	vm0 =	vmor vm10, vm11  }
0x82: {  	vm9 =	vlt.s32 v5, v1;
	vm10 =	veq.s32 v5, v1;
	v5 =	vld [tilespmem:$0x1A0];
	v6 =	vnsel vm0, $0x0, v6  }
0x83: {  	vm12 =	vmor vm8, vm9;
	vm14 =	veq.s32 v4, $0x7FFFFFFF;
	v2 =	vadd.f32 v6, v2;
	v6 =	vld [tilespmem:$0x580]  }
0x84: {  	vm15 =	vlt.s32 v4, v1;
	vm8 =	veq.s32 v4, v1;
	v4 =	vld [tilespmem:$0x1B0];
	vm0 =	vmor vm6, vm7  }
0x85: {  	vm9 =	vlt.s32 v24, v0;
	vm11 =	vlt.s32 v23, v0;
	v3 =	vnsel vm0, $0x0, v3  }
0x86: {  	vm13 =	vmand vm11, vm10;
	vm10 =	vmor vm14, vm15;
	v2 =	vadd.f32 v3, v2;
	v3 =	vld [tilespmem:$0x590]  }
0x87: {  	vm11 =	vmand vm9, vm8;
	vm14 =	veq.s32 v5, v1;
	vm0 =	vmor vm12, vm13  }
0x88: {  	vm12 =	veq.s32 v5, $0x7FFFFFFF;
	vm13 =	vlt.s32 v5, v1;
	v5 =	vld [tilespmem:$0x1C0];
	v6 =	vnsel vm0, $0x0, v6  }
0x89: {  	vm15 =	vlt.s32 v25, v0;
	vm8 =	veq.s32 v4, $0x7FFFFFFF;
	v2 =	vadd.f32 v6, v2;
	v6 =	vld [tilespmem:$0x5A0]  }
0x8a: {  	vm9 =	vlt.s32 v4, v1;
	vm0 =	vmor vm10, vm11;
	vm10 =	veq.s32 v4, v1;
	v4 =	vld [tilespmem:$0x1D0]  }
0x8b: {  	vm7 =	vmand vm15, vm14;
	vm6 =	vmor vm12, vm13;
	v3 =	vnsel vm0, $0x0, v3  }
0x8c: {  	vm12 =	vmor vm8, vm9;
	vm11 =	vlt.s32 v26, v0;
	v2 =	vadd.f32 v3, v2;
	v3 =	vld [tilespmem:$0x5B0]  }
0x8d: {  	vm13 =	vmand vm11, vm10;
	vm14 =	veq.s32 v5, $0x7FFFFFFF;
	vm0 =	vmor vm6, vm7  }
0x8e: {  	vm15 =	vlt.s32 v5, v1;
	vm8 =	veq.s32 v5, v1;
	v5 =	vld [tilespmem:$0x1E0];
	v6 =	vnsel vm0, $0x0, v6  }
0x8f: {  	vm10 =	vmor vm14, vm15;
	vm14 =	veq.s32 v4, v1;
	v2 =	vadd.f32 v6, v2;
	v6 =	vld [tilespmem:$0x5C0]  }
0x90: {  	vm0 =	vmor vm12, vm13;
	vm12 =	veq.s32 v4, $0x7FFFFFFF;
	vm13 =	vlt.s32 v4, v1;
	v4 =	vld [tilespmem:$0x1F0]  }
0x91: {  	vm9 =	vlt.s32 v27, v0;
	vm15 =	vlt.s32 v28, v0;
	v3 =	vnsel vm0, $0x0, v3  }
0x92: {  	vm11 =	vmand vm9, vm8;
	vm7 =	vmand vm15, vm14;
	v2 =	vadd.f32 v3, v2;
	v3 =	vld [tilespmem:$0x5D0]  }
0x93: {  	vm6 =	vmor vm12, vm13;
	vm8 =	veq.s32 v5, $0x7FFFFFFF;
	vm0 =	vmor vm10, vm11  }
0x94: {  	vm9 =	vlt.s32 v5, v1;
	vm10 =	veq.s32 v5, v1;
	v5 =	vld [tilespmem:$0x200];
	v6 =	vnsel vm0, $0x0, v6  }
0x95: {  	vm12 =	vmor vm8, vm9;
	vm14 =	veq.s32 v4, $0x7FFFFFFF;
	v2 =	vadd.f32 v6, v2;
	v6 =	vld [tilespmem:$0x5E0]  }
0x96: {  	vm15 =	vlt.s32 v4, v1;
	vm8 =	veq.s32 v4, v1;
	v4 =	vld [tilespmem:$0x210];
	vm0 =	vmor vm6, vm7  }
0x97: {  	vm9 =	vlt.s32 v30, v0;
	vm11 =	vlt.s32 v29, v0;
	v3 =	vnsel vm0, $0x0, v3  }
0x98: {  	vm13 =	vmand vm11, vm10;
	vm10 =	vmor vm14, vm15;
	v2 =	vadd.f32 v3, v2;
	v3 =	vld [tilespmem:$0x5F0]  }
0x99: {  	vm11 =	vmand vm9, vm8;
	vm14 =	veq.s32 v5, v1;
	vm0 =	vmor vm12, vm13  }
0x9a: {  	vm12 =	veq.s32 v5, $0x7FFFFFFF;
	vm13 =	vlt.s32 v5, v1;
	v5 =	vld [tilespmem:$0x220];
	v6 =	vnsel vm0, $0x0, v6  }
0x9b: {  	vm15 =	vlt.s32 v31, v0;
	vm8 =	veq.s32 v4, $0x7FFFFFFF;
	v2 =	vadd.f32 v6, v2;
	v6 =	vld [tilespmem:$0x600]  }
0x9c: {  	vm9 =	vlt.s32 v4, v1;
	vm0 =	vmor vm10, vm11;
	vm10 =	veq.s32 v4, v1;
	v4 =	vld [tilespmem:$0x230]  }
0x9d: {  	vm7 =	vmand vm15, vm14;
	vm6 =	vmor vm12, vm13;
	v3 =	vnsel vm0, $0x0, v3  }
0x9e: {  	vm12 =	vmor vm8, vm9;
	vm11 =	vlt.s32 v32, v0;
	v2 =	vadd.f32 v3, v2;
	v3 =	vld [tilespmem:$0x610]  }
0x9f: {  	vm13 =	vmand vm11, vm10;
	vm14 =	veq.s32 v5, $0x7FFFFFFF;
	vm0 =	vmor vm6, vm7  }
0xa0: {  	vm15 =	vlt.s32 v5, v1;
	vm8 =	veq.s32 v5, v1;
	v5 =	vld [tilespmem:$0x240];
	v6 =	vnsel vm0, $0x0, v6  }
0xa1: {  	vm10 =	vmor vm14, vm15;
	vm14 =	veq.s32 v4, v1;
	v2 =	vadd.f32 v6, v2;
	v6 =	vld [tilespmem:$0x620]  }
0xa2: {  	vm0 =	vmor vm12, vm13;
	vm12 =	veq.s32 v4, $0x7FFFFFFF;
	vm13 =	vlt.s32 v4, v1;
	v4 =	vld [tilespmem:$0x250]  }
0xa3: {  	vm9 =	vlt.s32 v33, v0;
	vm15 =	vlt.s32 v34, v0;
	v3 =	vnsel vm0, $0x0, v3  }
0xa4: {  	vm11 =	vmand vm9, vm8;
	vm7 =	vmand vm15, vm14;
	v2 =	vadd.f32 v3, v2;
	v3 =	vld [tilespmem:$0x630]  }
0xa5: {  	vm6 =	vmor vm12, vm13;
	vm8 =	veq.s32 v5, $0x7FFFFFFF;
	vm0 =	vmor vm10, vm11  }
0xa6: {  	vm9 =	vlt.s32 v5, v1;
	vm10 =	veq.s32 v5, v1;
	v5 =	vld [tilespmem:$0x260];
	v6 =	vnsel vm0, $0x0, v6  }
0xa7: {  	vm12 =	vmor vm8, vm9;
	vm14 =	veq.s32 v4, $0x7FFFFFFF;
	v2 =	vadd.f32 v6, v2;
	v6 =	vld [tilespmem:$0x640]  }
0xa8: {  	vm15 =	vlt.s32 v4, v1;
	vm8 =	veq.s32 v4, v1;
	v4 =	vld [tilespmem:$0x270];
	vm0 =	vmor vm6, vm7  }
0xa9: {  	vm9 =	vlt.s32 v36, v0;
	vm11 =	vlt.s32 v35, v0;
	v3 =	vnsel vm0, $0x0, v3  }
0xaa: {  	vm13 =	vmand vm11, vm10;
	vm10 =	vmor vm14, vm15;
	v2 =	vadd.f32 v3, v2;
	v3 =	vld [tilespmem:$0x650]  }
0xab: {  	vm11 =	vmand vm9, vm8;
	vm14 =	veq.s32 v5, v1;
	vm0 =	vmor vm12, vm13  }
0xac: {  	vm12 =	veq.s32 v5, $0x7FFFFFFF;
	vm13 =	vlt.s32 v5, v1;
	v5 =	vld [tilespmem:$0x280];
	v6 =	vnsel vm0, $0x0, v6  }
0xad: {  	vm15 =	vlt.s32 v37, v0;
	vm8 =	veq.s32 v4, $0x7FFFFFFF;
	v2 =	vadd.f32 v6, v2;
	v6 =	vld [tilespmem:$0x660]  }
0xae: {  	vm9 =	vlt.s32 v4, v1;
	vm0 =	vmor vm10, vm11;
	vm10 =	veq.s32 v4, v1;
	v4 =	vld [tilespmem:$0x290]  }
0xaf: {  	vm7 =	vmand vm15, vm14;
	vm6 =	vmor vm12, vm13;
	v3 =	vnsel vm0, $0x0, v3  }
0xb0: {  	vm12 =	vmor vm8, vm9;
	vm11 =	vlt.s32 v38, v0;
	v2 =	vadd.f32 v3, v2;
	v3 =	vld [tilespmem:$0x670]  }
0xb1: {  	vm13 =	vmand vm11, vm10;
	vm14 =	veq.s32 v5, $0x7FFFFFFF;
	vm0 =	vmor vm6, vm7  }
0xb2: {  	vm15 =	vlt.s32 v5, v1;
	vm8 =	veq.s32 v5, v1;
	v5 =	vld [tilespmem:$0x2A0];
	v6 =	vnsel vm0, $0x0, v6  }
0xb3: {  	vm10 =	vmor vm14, vm15;
	vm14 =	veq.s32 v4, v1;
	v2 =	vadd.f32 v6, v2;
	v6 =	vld [tilespmem:$0x680]  }
0xb4: {  	vm0 =	vmor vm12, vm13;
	vm12 =	veq.s32 v4, $0x7FFFFFFF;
	vm13 =	vlt.s32 v4, v1;
	v4 =	vld [tilespmem:$0x2B0]  }
0xb5: {  	vm9 =	vlt.s32 v39, v0;
	vm15 =	vlt.s32 v40, v0;
	v3 =	vnsel vm0, $0x0, v3  }
0xb6: {  	vm11 =	vmand vm9, vm8;
	vm7 =	vmand vm15, vm14;
	v2 =	vadd.f32 v3, v2;
	v3 =	vld [tilespmem:$0x690]  }
0xb7: {  	vm6 =	vmor vm12, vm13;
	vm8 =	veq.s32 v5, $0x7FFFFFFF;
	vm0 =	vmor vm10, vm11  }
0xb8: {  	vm9 =	vlt.s32 v5, v1;
	vm10 =	veq.s32 v5, v1;
	v5 =	vld [tilespmem:$0x2C0];
	v6 =	vnsel vm0, $0x0, v6  }
0xb9: {  	vm12 =	vmor vm8, vm9;
	vm14 =	veq.s32 v4, $0x7FFFFFFF;
	v2 =	vadd.f32 v6, v2;
	v6 =	vld [tilespmem:$0x6A0]  }
0xba: {  	vm15 =	vlt.s32 v4, v1;
	vm8 =	veq.s32 v4, v1;
	v4 =	vld [tilespmem:$0x2D0];
	vm0 =	vmor vm6, vm7  }
0xbb: {  	vm9 =	vlt.s32 v42, v0;
	vm11 =	vlt.s32 v41, v0;
	v3 =	vnsel vm0, $0x0, v3  }
0xbc: {  	vm13 =	vmand vm11, vm10;
	vm10 =	vmor vm14, vm15;
	v2 =	vadd.f32 v3, v2;
	v3 =	vld [tilespmem:$0x6B0]  }
0xbd: {  	vm11 =	vmand vm9, vm8;
	vm14 =	veq.s32 v5, v1;
	vm0 =	vmor vm12, vm13  }
0xbe: {  	vm12 =	veq.s32 v5, $0x7FFFFFFF;
	vm13 =	vlt.s32 v5, v1;
	v5 =	vld [tilespmem:$0x2E0];
	v6 =	vnsel vm0, $0x0, v6  }
0xbf: {  	vm15 =	vlt.s32 v43, v0;
	vm8 =	veq.s32 v4, $0x7FFFFFFF;
	v2 =	vadd.f32 v6, v2;
	v6 =	vld [tilespmem:$0x6C0]  }
0xc0: {  	vm9 =	vlt.s32 v4, v1;
	vm0 =	vmor vm10, vm11;
	vm10 =	veq.s32 v4, v1;
	v4 =	vld [tilespmem:$0x2F0]  }
0xc1: {  	vm7 =	vmand vm15, vm14;
	vm6 =	vmor vm12, vm13;
	v3 =	vnsel vm0, $0x0, v3  }
0xc2: {  	vm12 =	vmor vm8, vm9;
	vm11 =	vlt.s32 v44, v0;
	v2 =	vadd.f32 v3, v2;
	v3 =	vld [tilespmem:$0x6D0]  }
0xc3: {  	vm13 =	vmand vm11, vm10;
	vm14 =	veq.s32 v5, $0x7FFFFFFF;
	vm0 =	vmor vm6, vm7  }
0xc4: {  	vm15 =	vlt.s32 v5, v1;
	vm8 =	veq.s32 v5, v1;
	v5 =	vld [tilespmem:$0x300];
	v6 =	vnsel vm0, $0x0, v6  }
0xc5: {  	vm10 =	vmor vm14, vm15;
	vm14 =	veq.s32 v4, v1;
	v2 =	vadd.f32 v6, v2;
	v6 =	vld [tilespmem:$0x6E0]  }
0xc6: {  	vm0 =	vmor vm12, vm13;
	vm12 =	veq.s32 v4, $0x7FFFFFFF;
	vm13 =	vlt.s32 v4, v1;
	v4 =	vld [tilespmem:$0x310]  }
0xc7: {  	vm9 =	vlt.s32 v45, v0;
	vm15 =	vlt.s32 v46, v0;
	v3 =	vnsel vm0, $0x0, v3  }
0xc8: {  	vm11 =	vmand vm9, vm8;
	vm7 =	vmand vm15, vm14;
	v2 =	vadd.f32 v3, v2;
	v3 =	vld [tilespmem:$0x6F0]  }
0xc9: {  	vm6 =	vmor vm12, vm13;
	vm8 =	veq.s32 v5, $0x7FFFFFFF;
	vm0 =	vmor vm10, vm11  }
0xca: {  	vm9 =	vlt.s32 v5, v1;
	vm10 =	veq.s32 v5, v1;
	v5 =	vld [tilespmem:$0x320];
	v6 =	vnsel vm0, $0x0, v6  }
0xcb: {  	vm12 =	vmor vm8, vm9;
	vm14 =	veq.s32 v4, $0x7FFFFFFF;
	v2 =	vadd.f32 v6, v2;
	v6 =	vld [tilespmem:$0x700]  }
0xcc: {  	vm15 =	vlt.s32 v4, v1;
	vm8 =	veq.s32 v4, v1;
	v4 =	vld [tilespmem:$0x330];
	vm0 =	vmor vm6, vm7  }
0xcd: {  	vm9 =	vlt.s32 v48, v0;
	vm11 =	vlt.s32 v47, v0;
	v3 =	vnsel vm0, $0x0, v3  }
0xce: {  	vm13 =	vmand vm11, vm10;
	vm10 =	vmor vm14, vm15;
	v2 =	vadd.f32 v3, v2;
	v3 =	vld [tilespmem:$0x710]  }
0xcf: {  	vm11 =	vmand vm9, vm8;
	vm14 =	veq.s32 v5, v1;
	vm0 =	vmor vm12, vm13  }
0xd0: {  	vm12 =	veq.s32 v5, $0x7FFFFFFF;
	vm13 =	vlt.s32 v5, v1;
	v5 =	vld [tilespmem:$0x340];
	v6 =	vnsel vm0, $0x0, v6  }
0xd1: {  	vm15 =	vlt.s32 v49, v0;
	vm8 =	veq.s32 v4, $0x7FFFFFFF;
	v2 =	vadd.f32 v6, v2;
	v6 =	vld [tilespmem:$0x720]  }
0xd2: {  	vm9 =	vlt.s32 v4, v1;
	vm0 =	vmor vm10, vm11;
	vm10 =	veq.s32 v4, v1;
	v4 =	vld [tilespmem:$0x350]  }
0xd3: {  	vm7 =	vmand vm15, vm14;
	vm6 =	vmor vm12, vm13;
	v3 =	vnsel vm0, $0x0, v3  }
0xd4: {  	vm12 =	vmor vm8, vm9;
	vm11 =	vlt.s32 v50, v0;
	v2 =	vadd.f32 v3, v2;
	v3 =	vld [tilespmem:$0x730]  }
0xd5: {  	vm13 =	vmand vm11, vm10;
	vm14 =	veq.s32 v5, $0x7FFFFFFF;
	vm0 =	vmor vm6, vm7  }
0xd6: {  	vm15 =	vlt.s32 v5, v1;
	vm8 =	veq.s32 v5, v1;
	v5 =	vld [tilespmem:$0x360];
	v6 =	vnsel vm0, $0x0, v6  }
0xd7: {  	vm10 =	vmor vm14, vm15;
	vm14 =	veq.s32 v4, v1;
	v2 =	vadd.f32 v6, v2;
	v6 =	vld [tilespmem:$0x740]  }
0xd8: {  	vm0 =	vmor vm12, vm13;
	vm12 =	veq.s32 v4, $0x7FFFFFFF;
	vm13 =	vlt.s32 v4, v1;
	v4 =	vld [tilespmem:$0x370]  }
0xd9: {  	vm9 =	vlt.s32 v51, v0;
	vm15 =	vlt.s32 v52, v0;
	v3 =	vnsel vm0, $0x0, v3  }
0xda: {  	vm11 =	vmand vm9, vm8;
	vm7 =	vmand vm15, vm14;
	v2 =	vadd.f32 v3, v2;
	v3 =	vld [tilespmem:$0x750]  }
0xdb: {  	vm6 =	vmor vm12, vm13;
	vm8 =	veq.s32 v5, $0x7FFFFFFF;
	vm0 =	vmor vm10, vm11  }
0xdc: {  	vm9 =	vlt.s32 v5, v1;
	vm10 =	veq.s32 v5, v1;
	v5 =	vld [tilespmem:$0x380];
	v6 =	vnsel vm0, $0x0, v6  }
0xdd: {  	vm12 =	vmor vm8, vm9;
	vm14 =	veq.s32 v4, $0x7FFFFFFF;
	v2 =	vadd.f32 v6, v2;
	v6 =	vld [tilespmem:$0x760]  }
0xde: {  	vm15 =	vlt.s32 v4, v1;
	vm8 =	veq.s32 v4, v1;
	v4 =	vld [tilespmem:$0x390];
	vm0 =	vmor vm6, vm7  }
0xdf: {  	vm9 =	vlt.s32 v54, v0;
	vm11 =	vlt.s32 v53, v0;
	v3 =	vnsel vm0, $0x0, v3  }
0xe0: {  	vm13 =	vmand vm11, vm10;
	vm10 =	vmor vm14, vm15;
	v2 =	vadd.f32 v3, v2;
	v3 =	vld [tilespmem:$0x770]  }
0xe1: {  	vm11 =	vmand vm9, vm8;
	vm14 =	veq.s32 v5, v1;
	vm0 =	vmor vm12, vm13  }
0xe2: {  	vm12 =	veq.s32 v5, $0x7FFFFFFF;
	vm13 =	vlt.s32 v5, v1;
	v5 =	vld [tilespmem:$0x3A0];
	v6 =	vnsel vm0, $0x0, v6  }
0xe3: {  	vm15 =	vlt.s32 v55, v0;
	vm8 =	veq.s32 v4, $0x7FFFFFFF;
	v2 =	vadd.f32 v6, v2;
	v6 =	vld [tilespmem:$0x780]  }
0xe4: {  	vm9 =	vlt.s32 v4, v1;
	vm0 =	vmor vm10, vm11;
	vm10 =	veq.s32 v4, v1;
	v4 =	vld [tilespmem:$0x3B0]  }
0xe5: {  	vm7 =	vmand vm15, vm14;
	vm6 =	vmor vm12, vm13;
	v3 =	vnsel vm0, $0x0, v3  }
0xe6: {  	vm12 =	vmor vm8, vm9;
	vm11 =	vlt.s32 v56, v0;
	v2 =	vadd.f32 v3, v2;
	v3 =	vld [tilespmem:$0x790]  }
0xe7: {  	vm13 =	vmand vm11, vm10;
	vm14 =	veq.s32 v5, $0x7FFFFFFF;
	vm0 =	vmor vm6, vm7  }
0xe8: {  	vm15 =	vlt.s32 v5, v1;
	vm8 =	veq.s32 v5, v1;
	v5 =	vld [tilespmem:$0x3C0];
	v6 =	vnsel vm0, $0x0, v6  }
0xe9: {  	vm10 =	vmor vm14, vm15;
	vm14 =	veq.s32 v4, v1;
	v2 =	vadd.f32 v6, v2;
	v6 =	vld [tilespmem:$0x7A0]  }
0xea: {  	vm0 =	vmor vm12, vm13;
	vm12 =	veq.s32 v4, $0x7FFFFFFF;
	vm13 =	vlt.s32 v4, v1;
	v4 =	vld [tilespmem:$0x3D0]  }
0xeb: {  	vm9 =	vlt.s32 v58, v0;
	v3 =	vnsel vm0, $0x0, v3  }
0xec: {  	vm11 =	vmand vm9, vm8;
	vm15 =	vlt.s32 v59, v0;
	v2 =	vadd.f32 v3, v2;
	v3 =	vld [tilespmem:$0x7B0]  }
0xed: {  	vm8 =	vmand vm15, vm14;
	vm7 =	vmor vm12, vm13;
	vm0 =	vmor vm10, vm11  }
0xee: {  	vm9 =	veq.s32 v5, $0x7FFFFFFF;
	vm10 =	vlt.s32 v5, v1;
	v6 =	vnsel vm0, $0x0, v6  }
0xef: {  	vm13 =	vmor vm9, vm10;
	vm15 =	veq.s32 v4, $0x7FFFFFFF;
	v2 =	vadd.f32 v6, v2;
	v6 =	vld [tilespmem:$0x7C0]  }
0xf0: {  	vm9 =	veq.s32 v4, v1;
	vm0 =	vmor vm7, vm8;
	vm8 =	vlt.s32 v4, v1;
	v4 =	vld [tilespmem:$0x3F0]  }
0xf1: {  	vm12 =	vlt.s32 v60, v0;
	vm11 =	veq.s32 v5, v1;
	v3 =	vnsel vm0, $0x0, v3  }
0xf2: {  	vm14 =	vmand vm12, vm11;
	v2 =	vadd.f32 v3, v2;
	v3 =	vld [tilespmem:$0x3E0]  }
0xf3: {  	v5 =	vld [tilespmem:$0x7D0];
	vm10 =	vlt.s32 v61, v0;
	vm0 =	vmor vm13, vm14  }
0xf4: {  	vm12 =	vmand vm10, vm9;
	vm11 =	vmor vm15, vm8;
	v6 =	vnsel vm0, $0x0, v6  }
0xf5: {  	vm8 =	vlt.s32 v62, v0;
	vm9 =	vlt.s32 v4, v1;
	v2 =	vadd.f32 v6, v2;
	v6 =	vld [tilespmem:$0x7E0]  }
0xf6: {  	vm10 =	veq.s32 v4, v1;
	vm0 =	vmor vm11, vm12;
	vm12 =	veq.s32 v4, $0x7FFFFFFF  }
0xf7: {  	vm13 =	veq.s32 v3, $0x7FFFFFFF;
	vm14 =	vlt.s32 v3, v1;
	vm15 =	veq.s32 v3, v1;
	v3 =	vld [tilespmem:$0x7F0]  }
0xf8: {  	v5 =	vnsel vm0, $0x0, v5;
	vm0 =	vmor vm13, vm14;
	vm11 =	vmand vm8, vm15  }
0xf9: {  	v2 =	vadd.f32 v5, v2;
	vm13 =	vlt.s32 v63, v0;
	vm0 =	vmor vm0, vm11  }
0xfa: {  	vm14 =	vmor vm12, vm9;
	vm15 =	vmand vm13, vm10;
	v0 =	vnsel vm0, $0x0, v6  }
0xfb: {  	vm0 =	vmor vm14, vm15;
	v0 =	vadd.f32 v0, v2  }
0xfc: {  	v1 =	vnsel vm0, $0x0, v3  }
0xfd: {  	v0 =	vadd.f32 v1, v0;
	_ =	sdelay $0x1  }
0xfe: {  	[tilespmem:$0x880] =	vst v0  }
0xff: {  	v1 =	vld [tilespmem:$0x820];
	[spmem:s8] =	stream.linear.scatter [tilespmem:s13], [sflag:$0x1], $0x10, $0x38  }
0x100: {  	_ =	swait.ge [sflag:s10], $0x10  }
0x101: {  	[sflag:s10] =	ssyncset.done $0x0  }
0x102: {  	[sflag:s10] =	ssyncadd.s32 $0xFFFFFFF0  }
0x103: {  	s14 =	simm.s32 @!p0 $0x900;
	[bflag:$0x0] =	sbarrier.arrive $0xFFFF  }
0x104: {  	[tilespmem:s14], [sflag:$0x1] =	stream.linear.gather @!p0 [spmem:s2], $0x100, $0x38;
	[tilespmem:$0xA10] =	vst v63  }
0x105: {  	s14 =	simm.s32 @!p0 $0x1  }
0x106: {  	_ =	swait.ge @!p0 [sflag:s14], $0x100  }
0x107: {  	[sflag:s14] =	ssyncset.done @!p0 $0x0  }
0x108: {  	[sflag:s14] =	ssyncadd.s32 @!p0 $0xFFFFFF00  }
0x109: {  	v0 =	vld @!p0 [tilespmem:$0x900];
	_ =	sdelay $0x1  }
0x10a: {  	v2 =	vld @!p0 [tilespmem:$0x910];
	_ =	sdelay $0x1  }
0x10b: {  	v3 =	vld @!p0 [tilespmem:$0x920]  }
0x10c: {  	v0 =	vadd.f32 @!p0 $0.0e+00, v0  }
0x10d: {  	v4 =	vld @!p0 [tilespmem:$0x930]  }
0x10e: {  	v0 =	vadd.f32 @!p0 v2, v0  }
0x10f: {  	v2 =	vld @!p0 [tilespmem:$0x940]  }
0x110: {  	v0 =	vadd.f32 @!p0 v3, v0  }
0x111: {  	v3 =	vld @!p0 [tilespmem:$0x950]  }
0x112: {  	v0 =	vadd.f32 @!p0 v4, v0  }
0x113: {  	v4 =	vld @!p0 [tilespmem:$0x960]  }
0x114: {  	v0 =	vadd.f32 @!p0 v2, v0  }
0x115: {  	v2 =	vld @!p0 [tilespmem:$0x970]  }
0x116: {  	v0 =	vadd.f32 @!p0 v3, v0  }
0x117: {  	v3 =	vld @!p0 [tilespmem:$0x980]  }
0x118: {  	v0 =	vadd.f32 @!p0 v4, v0  }
0x119: {  	v4 =	vld @!p0 [tilespmem:$0x990]  }
0x11a: {  	v0 =	vadd.f32 @!p0 v2, v0  }
0x11b: {  	v2 =	vld @!p0 [tilespmem:$0x9A0]  }
0x11c: {  	v0 =	vadd.f32 @!p0 v3, v0  }
0x11d: {  	v3 =	vld @!p0 [tilespmem:$0x9B0]  }
0x11e: {  	v0 =	vadd.f32 @!p0 v4, v0  }
0x11f: {  	v4 =	vld @!p0 [tilespmem:$0x9C0]  }
0x120: {  	v0 =	vadd.f32 @!p0 v2, v0  }
0x121: {  	v2 =	vld @!p0 [tilespmem:$0x9D0]  }
0x122: {  	v0 =	vadd.f32 @!p0 v3, v0  }
0x123: {  	v3 =	vld @!p0 [tilespmem:$0x9E0]  }
0x124: {  	v0 =	vadd.f32 @!p0 v4, v0  }
0x125: {  	v4 =	vld @!p0 [tilespmem:$0x9F0]  }
0x126: {  	v0 =	vadd.f32 @!p0 v2, v0;
	_ =	sdelay $0x1  }
0x127: {  	v0 =	vadd.f32 @!p0 v3, v0;
	_ =	sdelay $0x1  }
0x128: {  	v0 =	vadd.f32 @!p0 v4, v0;
	_ =	sdelay $0x1  }
0x129: {  	(xrf2) =	vadd.scan.msk.f32 @!p0 $0xffff, v0;
	_ =	sdelay $0x9  }
0x12a: {  	v0, _, _ =	vpop @!p0 (xrf2)  }
0x12b: {  	v0 =	vadd.f32 @!p0 $0.0e+00, v0;
	_ =	sdelay $0x1  }
0x12c: {  	v0 =	vbroadcast @!p0 v0, $0xF;
	_ =	sdelay $0x1  }
0x12d: {  	s9 =	sadd.s32 $0xFFFFFFFF, s9;
	v0 =	vmul.f32 @!p0 v0, v1  }
0x12e: {  	p1 =	sne.s32 s9, $0x0  }
.Ltmp0:
0x12f: {  	s15 =	simm.s32 @!p0 $0x0;
	s16 =	simm.s32 @!p0 $0x880;
	[tilespmem:$0x880] =	vst @!p0 v0;
	(pc) =	sbr.rel @p1 .LBB2_1-.Ltmp0, $4  }
0x130: {  	[hbm4b:s1+s15] =	stream.linear.scatter @!p0 [tilespmem:s16], [sflag:$0x1], $0x80, $0x38;
	[tilespmem:$0xA10] =	vst v63  }
0x131: {  	_ =	swait.ge @!p0 [sflag:s14], $0x80  }
0x132: {  	[sflag:s14] =	ssyncset.done @!p0 $0x0  }
0x133: {  	[sflag:s14] =	ssyncadd.s32 @!p0 $0xFFFFFF80  }
0x134: {  	_ =	sfence.sel $0x180000  }
0x135: {  	[bflag:$0x0] =	sbarrier.arrive $0xFFFF  }
0x136: {  	p0 =	sne.s32 s3, $0x0;
	_ =	strace $0x90000047  }
0x137: {  	s0 =	sadd.s32 @!p0 $0x100000, s0;
	[bflag:$0x2] =	sbarrier.arrive $0xFFFF  }
0x138: {  	[sflag:s0] =	ssyncadd.tile.s32 @!p0 $0x1;
	_ =	shalt  }
.Lfunc_end2:
_tile_overlayer_lowered:
.L_overlay_start_2:
0x139: {  	(tag) =	ssettag $0x2  }
0x13a: {  	s0 =	rddreg [dreg:$0x0];
	s2 =	stileid.u32  }
0x13b: {  	s1 =	rddreg [dreg:$0x1];
	p0 =	sne.s32 s2, $0x0  }
0x13c: {  	s3 =	rddreg [dreg:$0x2];
	[bflag:$0x3] =	sbarrier.arrive $0xFFFF;
	s2 =	simm.s32 @!p0 $0x1C01  }
0x13d: {  	[timem:s3], [sflag:s2] =	dma.local @!p0 [hbm:s0], s1  }
0x13e: {  	s0 =	simm.s32 @!p0 $0x1  }
0x13f: {  	_ =	swait.ge @!p0 [sflag:s0], s1  }
0x140: {  	s1 =	ssub.s32 @!p0 $0x0, s1;
	[sflag:s0] =	ssyncset.done @!p0 $0x0  }
0x141: {  	[sflag:s0] =	ssyncadd.s32 @!p0 s1  }
0x142: {  	[bflag:$0x3] =	sbarrier.arrive $0xFFFF  }
0x143: {  	_ =	shalt  }

</sc_bundles>
